<compile_context>
chip_gen: v7x
topology: tpu7x:2x2x1
jax: 0.10.2.dev20260603
libtpu: 0.0.44.dev20260713+nightly
codegen_flags: <defaults>
</compile_context>

<pallas_src>
import functools

import jax
import jax.numpy as jnp
from jax import lax
from jax.experimental import pallas as pl
from jax.experimental.pallas import tpu as pltpu
from jax.experimental.pallas import tpu_sc as plsc

HIDDEN = 768
NUM_EXPERTS = 64
TOP_K = 2
BT = 4096

T = 32768
NC, NS, L = 2, 16, 16
NW = NC * NS
TPW = T // NW
GROUPS = TPW // L
GI = 4


def _logits_block(x_ref, wt_ref, b_ref, logits_ref, logits_t_ref):
    logits = jax.lax.dot_general(
        x_ref[...], wt_ref[...], (((1,), (0,)), ((), ())),
        preferred_element_type=jnp.float32,
    ) + b_ref[...][None, :]
    logits_ref[...] = logits
    logits_t_ref[...] = logits.T


def _route_body(logits_t_hbm, w_hbm, e_hbm, chunk_v, w_v, e_v):
    cid = lax.axis_index("c")
    sid = lax.axis_index("s")
    wid = sid * NC + cid
    base = wid * TPW
    pltpu.sync_copy(logits_t_hbm.at[:, pl.ds(base, TPW)], chunk_v)

    lane = lax.iota(jnp.int32, L)

    def group(g0, _):
        neg = jnp.full((L,), -jnp.inf, jnp.float32)
        big = jnp.full((L,), NUM_EXPERTS, jnp.int32)

        st0 = [neg, neg, big, big] * GI

        def eblock(eb, carry):
            st = [list(carry[4 * j:4 * j + 4]) for j in range(GI)]
            for k in range(4):
                e = eb * 4 + k
                ev = jnp.full((L,), 1, jnp.int32) * e
                for j in range(GI):
                    m1, m2, a1, a2 = st[j]
                    v = chunk_v[e, pl.ds((g0 + j) * L, L)]
                    gt1 = v > m1
                    gt2 = v > m2
                    a2 = jnp.where(gt1, a1, jnp.where(gt2, ev, a2))
                    m2 = jnp.where(gt1, m1, jnp.where(gt2, v, m2))
                    a1 = jnp.where(gt1, ev, a1)
                    m1 = jnp.where(gt1, v, m1)
                    st[j] = [m1, m2, a1, a2]
            return tuple(x for s in st for x in s)

        stf = lax.fori_loop(0, NUM_EXPERTS // 4, eblock, tuple(st0))
        for j in range(GI):
            m1, m2, a1, a2 = stf[4 * j:4 * j + 4]
            w1 = 1.0 / (1.0 + jnp.exp(m2 - m1))
            w2 = 1.0 - w1
            pos = ((g0 + j) * L + lane) * 2
            plsc.store_scatter(w_v, [pos], w1)
            plsc.store_scatter(w_v, [pos + 1], w2)
            plsc.store_scatter(e_v, [pos], a1)
            plsc.store_scatter(e_v, [pos + 1], a2)
        return 0

    lax.fori_loop(0, GROUPS // GI, lambda i, c: group(i * GI, c), 0)
    pltpu.sync_copy(w_v, w_hbm.at[pl.ds(base * 2, 2 * TPW)])
    pltpu.sync_copy(e_v, e_hbm.at[pl.ds(base * 2, 2 * TPW)])


_route = pl.kernel(
    _route_body,
    out_type=[
        jax.ShapeDtypeStruct((2 * T,), jnp.float32),
        jax.ShapeDtypeStruct((2 * T,), jnp.int32),
    ],
    mesh=plsc.VectorSubcoreMesh(
        core_axis_name="c", subcore_axis_name="s",
        num_cores=NC, num_subcores=NS),
    scratch_types=[
        pltpu.VMEM((NUM_EXPERTS, TPW), jnp.float32),
        pltpu.VMEM((2 * TPW,), jnp.float32),
        pltpu.VMEM((2 * TPW,), jnp.int32),
    ],
    compiler_params=pltpu.CompilerParams(needs_layout_passes=False),
)


@jax.jit
def kernel(hidden_states, gate_w, gate_b):
    b, s, h = hidden_states.shape
    t = b * s
    x = hidden_states.reshape(t, h)
    wt = gate_w.T

    logits, logits_t = pl.pallas_call(
        _logits_block,
        grid=(t // BT,),
        in_specs=[
            pl.BlockSpec((BT, h), lambda i: (i, 0)),
            pl.BlockSpec((h, NUM_EXPERTS), lambda i: (0, 0)),
            pl.BlockSpec((NUM_EXPERTS,), lambda i: (0,)),
        ],
        out_specs=[
            pl.BlockSpec((BT, NUM_EXPERTS), lambda i: (i, 0)),
            pl.BlockSpec((NUM_EXPERTS, BT), lambda i: (0, i)),
        ],
        out_shape=[
            jax.ShapeDtypeStruct((t, NUM_EXPERTS), jnp.float32),
            jax.ShapeDtypeStruct((NUM_EXPERTS, t), jnp.float32),
        ],
    )(x, wt, gate_b)

    wf, ef = _route(logits_t)
    weights = wf.reshape(t, TOP_K)
    experts = ef.reshape(t, TOP_K)
    aux_loss = jnp.array(0.0, dtype=jnp.float32)
    return (weights, experts, logits, aux_loss)

# --- scband reference (transcript-rebuilt; emitter-appended) ---
"""Pipeline reference for scband-mock-top-krouter-6562710028727 (READ-ONLY COPY).

The authoritative reference and input builder live on the scoring server;
editing this copy changes nothing except your own understanding.
"""

import jax, jax.numpy as jnp
import numpy as np

HIDDEN = 768
NUM_EXPERTS = 64
TOP_K = 2

def setup_inputs(seed: int = 0) -> dict:
    key = jax.random.key(seed)
    k1, k2, k3 = jax.random.split(key, 3)
    hidden_states = jax.random.normal(k1, (4, 8192, HIDDEN), dtype=jnp.float32)
    # nn.Linear(hidden_size, num_experts): weight [E, H], bias [E]
    bound = 1.0 / np.sqrt(HIDDEN)
    gate_w = jax.random.uniform(k2, (NUM_EXPERTS, HIDDEN), minval=-bound, maxval=bound, dtype=jnp.float32)
    gate_b = jax.random.uniform(k3, (NUM_EXPERTS,), minval=-bound, maxval=bound, dtype=jnp.float32)
    return {"hidden_states": hidden_states, "gate_w": gate_w, "gate_b": gate_b}

def reference(hidden_states, gate_w, gate_b):
    b, s, h = hidden_states.shape
    x = hidden_states.reshape(-1, h)
    router_logits = x @ gate_w.T + gate_b
    routing_weights, selected_experts = jax.lax.top_k(router_logits, TOP_K)
    routing_weights = jax.nn.softmax(routing_weights, axis=-1)
    aux_loss = jnp.array(0.0, dtype=jnp.float32)
    return (routing_weights, selected_experts, router_logits, aux_loss)

if __name__ == "__main__":
    import jax
    _d = setup_inputs()
    print(jax.jit(kernel)(*tuple(_d.values())))

</pallas_src>

<mosaic_0001>
#map = affine_map<(d0, d1) -> (0, 0)>
#map1 = affine_map<(d0, d1) -> (0)>
module attributes {stable_mosaic.version = 14 : i64} {
  func.func @_route_body(%arg0: i32, %arg1: i32, %arg2: memref<64x32768xf32, #tpu.memory_space<hbm>>, %arg3: memref<65536xf32, #tpu.memory_space<hbm>>, %arg4: memref<65536xi32, #tpu.memory_space<hbm>>, %arg5: memref<64x1024xf32, #tpu.memory_space<vmem>>, %arg6: memref<2048xf32, #tpu.memory_space<vmem>>, %arg7: memref<2048xi32, #tpu.memory_space<vmem>>) attributes {dimension_semantics = [#tpu.dimension_semantics<core_parallel>, #tpu.dimension_semantics<subcore_parallel>], iteration_bounds = array<i64: 2, 16>, scalar_prefetch = 0 : i64, scratch_operands = 3 : i64, tpu.core_type = #tpu.core_type<sc_vector_subcore>, window_params = [{transform_indices = #map}, {transform_indices = #map1}, {transform_indices = #map1}]} {
    %mul3A = arith.constant 2 : i32
    %mul3A_0 = arith.muli %arg1, %mul3A : i32
    %add3A = arith.addi %mul3A_0, %arg0 : i32
    %mul3A_1 = arith.constant 1024 : i32
    %mul3A_2 = arith.muli %add3A, %mul3A_1 : i32
    "tpu.region"() ({
      %run_scoped3A = tpu.sem_alloc : memref<!tpu.dma_semaphore, #tpu.memory_space<semaphore_mem>>
      %dma_start3A = arith.constant 0 : i32
      %dma_start3A_13 = tpu.memref_slice %arg2[%dma_start3A, %mul3A_2] : memref<64x32768xf32, #tpu.memory_space<hbm>> -> memref<64x1024xf32, #tpu.memory_space<hbm>>
      %dma_start3A_14 = arith.constant 0 : i32
      %dma_start3A_15 = tpu.memref_slice %arg2[%dma_start3A_14, %mul3A_2] : memref<64x32768xf32, #tpu.memory_space<hbm>> -> memref<64x1024xf32, #tpu.memory_space<hbm>>
      tpu.enqueue_dma source(%dma_start3A_15 : memref<64x1024xf32, #tpu.memory_space<hbm>>) target(%arg5 : memref<64x1024xf32, #tpu.memory_space<vmem>>) target_semaphore(%run_scoped3A : memref<!tpu.dma_semaphore, #tpu.memory_space<semaphore_mem>>)
      %dma_wait3A = arith.constant 0 : i32
      %dma_wait3A_16 = tpu.memref_slice %arg2[%dma_wait3A, %mul3A_2] : memref<64x32768xf32, #tpu.memory_space<hbm>> -> memref<64x1024xf32, #tpu.memory_space<hbm>>
      %dma_wait3A_17 = arith.constant 0 : i32
      %dma_wait3A_18 = tpu.memref_slice %arg2[%dma_wait3A_17, %mul3A_2] : memref<64x32768xf32, #tpu.memory_space<hbm>> -> memref<64x1024xf32, #tpu.memory_space<hbm>>
      tpu.wait_dma2 semaphore(%run_scoped3A : memref<!tpu.dma_semaphore, #tpu.memory_space<semaphore_mem>>) src(%dma_wait3A_18 : memref<64x1024xf32, #tpu.memory_space<hbm>>) dst(%arg5 : memref<64x1024xf32, #tpu.memory_space<vmem>>)
      tpu.yield
    }) : () -> ()
    %iota3A = tpu.iota {dimensions = array<i32: 0>} : vector<16xi32>
    %scan3A = arith.constant 0 : i32
    %scan3A_3 = arith.constant 0 : i32
    %scan3A_4 = arith.constant 16 : i32
    %scan3A_5 = arith.addi %scan3A_3, %scan3A_4 : i32
    %scan3A_6 = arith.constant 1 : i32
    %scan3A_7 = scf.for %scan3A_13 = %scan3A_3 to %scan3A_5 step %scan3A_6 iter_args(%scan3A_14 = %scan3A) -> (i32)  : i32 {
      %mul3A_15 = arith.constant 4 : i32
      %mul3A_16 = arith.muli %scan3A_13, %mul3A_15 : i32
      %broadcast_in_dim3A = arith.constant 0xFF800000 : f32
      %broadcast_in_dim3A_17 = vector.broadcast %broadcast_in_dim3A : f32 to vector<16xf32>
      %broadcast_in_dim3A_18 = arith.constant 64 : i32
      %broadcast_in_dim3A_19 = vector.broadcast %broadcast_in_dim3A_18 : i32 to vector<16xi32>
      %scan3A_20 = arith.constant 0 : i32
      %scan3A_21 = arith.constant 16 : i32
      %scan3A_22 = arith.addi %scan3A_20, %scan3A_21 : i32
      %scan3A_23 = arith.constant 1 : i32
      %scan3A_24:16 = scf.for %scan3A_128 = %scan3A_20 to %scan3A_22 step %scan3A_23 iter_args(%scan3A_129 = %broadcast_in_dim3A_17, %scan3A_130 = %broadcast_in_dim3A_17, %scan3A_131 = %broadcast_in_dim3A_19, %scan3A_132 = %broadcast_in_dim3A_19, %scan3A_133 = %broadcast_in_dim3A_17, %scan3A_134 = %broadcast_in_dim3A_17, %scan3A_135 = %broadcast_in_dim3A_19, %scan3A_136 = %broadcast_in_dim3A_19, %scan3A_137 = %broadcast_in_dim3A_17, %scan3A_138 = %broadcast_in_dim3A_17, %scan3A_139 = %broadcast_in_dim3A_19, %scan3A_140 = %broadcast_in_dim3A_19, %scan3A_141 = %broadcast_in_dim3A_17, %scan3A_142 = %broadcast_in_dim3A_17, %scan3A_143 = %broadcast_in_dim3A_19, %scan3A_144 = %broadcast_in_dim3A_19) -> (vector<16xf32>, vector<16xf32>, vector<16xi32>, vector<16xi32>, vector<16xf32>, vector<16xf32>, vector<16xi32>, vector<16xi32>, vector<16xf32>, vector<16xf32>, vector<16xi32>, vector<16xi32>, vector<16xf32>, vector<16xf32>, vector<16xi32>, vector<16xi32>)  : i32 {
        %mul3A_145 = arith.constant 4 : i32
        %mul3A_146 = arith.muli %scan3A_128, %mul3A_145 : i32
        %add3A_147 = arith.constant 0 : i32
        %add3A_148 = arith.addi %mul3A_146, %add3A_147 : i32
        %broadcast_in_dim3A_149 = arith.constant 1 : i32
        %broadcast_in_dim3A_150 = vector.broadcast %broadcast_in_dim3A_149 : i32 to vector<16xi32>
        %mul3A_151 = vector.broadcast %add3A_148 : i32 to vector<16xi32>
        %mul3A_152 = arith.muli %broadcast_in_dim3A_150, %mul3A_151 : vector<16xi32>
        %add3A_153 = arith.constant 0 : i32
        %add3A_154 = arith.addi %mul3A_16, %add3A_153 : i32
        %mul3A_155 = arith.constant 16 : i32
        %mul3A_156 = arith.muli %add3A_154, %mul3A_155 : i32
        %get3A = arith.index_cast %add3A_148 : i32 to index
        %get3A_157 = arith.index_cast %mul3A_156 : i32 to index
        %get3A_158 = tpu.vector_load %arg5[%get3A, %get3A_157] {strides = array<i32>} : memref<64x1024xf32, #tpu.memory_space<vmem>>, vector<16xf32>,
        %gt3A = arith.cmpf ogt, %get3A_158, %scan3A_129 : vector<16xf32>
        %gt3A_159 = arith.cmpf ogt, %get3A_158, %scan3A_130 : vector<16xf32>
        %select_n3A = arith.select %gt3A_159, %mul3A_152, %scan3A_132 : vector<16xi1>, vector<16xi32>
        %select_n3A_160 = arith.select %gt3A, %scan3A_131, %select_n3A : vector<16xi1>, vector<16xi32>
        %select_n3A_161 = arith.select %gt3A_159, %get3A_158, %scan3A_130 : vector<16xi1>, vector<16xf32>
        %select_n3A_162 = arith.select %gt3A, %scan3A_129, %select_n3A_161 : vector<16xi1>, vector<16xf32>
        %select_n3A_163 = arith.select %gt3A, %mul3A_152, %scan3A_131 : vector<16xi1>, vector<16xi32>
        %select_n3A_164 = arith.select %gt3A, %get3A_158, %scan3A_129 : vector<16xi1>, vector<16xf32>
        %add3A_165 = arith.constant 1 : i32
        %add3A_166 = arith.addi %mul3A_16, %add3A_165 : i32
        %mul3A_167 = arith.constant 16 : i32
        %mul3A_168 = arith.muli %add3A_166, %mul3A_167 : i32
        %get3A_169 = arith.index_cast %add3A_148 : i32 to index
        %get3A_170 = arith.index_cast %mul3A_168 : i32 to index
        %get3A_171 = tpu.vector_load %arg5[%get3A_169, %get3A_170] {strides = array<i32>} : memref<64x1024xf32, #tpu.memory_space<vmem>>, vector<16xf32>,
        %gt3A_172 = arith.cmpf ogt, %get3A_171, %scan3A_133 : vector<16xf32>
        %gt3A_173 = arith.cmpf ogt, %get3A_171, %scan3A_134 : vector<16xf32>
        %select_n3A_174 = arith.select %gt3A_173, %mul3A_152, %scan3A_136 : vector<16xi1>, vector<16xi32>
        %select_n3A_175 = arith.select %gt3A_172, %scan3A_135, %select_n3A_174 : vector<16xi1>, vector<16xi32>
        %select_n3A_176 = arith.select %gt3A_173, %get3A_171, %scan3A_134 : vector<16xi1>, vector<16xf32>
        %select_n3A_177 = arith.select %gt3A_172, %scan3A_133, %select_n3A_176 : vector<16xi1>, vector<16xf32>
        %select_n3A_178 = arith.select %gt3A_172, %mul3A_152, %scan3A_135 : vector<16xi1>, vector<16xi32>
        %select_n3A_179 = arith.select %gt3A_172, %get3A_171, %scan3A_133 : vector<16xi1>, vector<16xf32>
        %add3A_180 = arith.constant 2 : i32
        %add3A_181 = arith.addi %mul3A_16, %add3A_180 : i32
        %mul3A_182 = arith.constant 16 : i32
        %mul3A_183 = arith.muli %add3A_181, %mul3A_182 : i32
        %get3A_184 = arith.index_cast %add3A_148 : i32 to index
        %get3A_185 = arith.index_cast %mul3A_183 : i32 to index
        %get3A_186 = tpu.vector_load %arg5[%get3A_184, %get3A_185] {strides = array<i32>} : memref<64x1024xf32, #tpu.memory_space<vmem>>, vector<16xf32>,
        %gt3A_187 = arith.cmpf ogt, %get3A_186, %scan3A_137 : vector<16xf32>
        %gt3A_188 = arith.cmpf ogt, %get3A_186, %scan3A_138 : vector<16xf32>
        %select_n3A_189 = arith.select %gt3A_188, %mul3A_152, %scan3A_140 : vector<16xi1>, vector<16xi32>
        %select_n3A_190 = arith.select %gt3A_187, %scan3A_139, %select_n3A_189 : vector<16xi1>, vector<16xi32>
        %select_n3A_191 = arith.select %gt3A_188, %get3A_186, %scan3A_138 : vector<16xi1>, vector<16xf32>
        %select_n3A_192 = arith.select %gt3A_187, %scan3A_137, %select_n3A_191 : vector<16xi1>, vector<16xf32>
        %select_n3A_193 = arith.select %gt3A_187, %mul3A_152, %scan3A_139 : vector<16xi1>, vector<16xi32>
        %select_n3A_194 = arith.select %gt3A_187, %get3A_186, %scan3A_137 : vector<16xi1>, vector<16xf32>
        %add3A_195 = arith.constant 3 : i32
        %add3A_196 = arith.addi %mul3A_16, %add3A_195 : i32
        %mul3A_197 = arith.constant 16 : i32
        %mul3A_198 = arith.muli %add3A_196, %mul3A_197 : i32
        %get3A_199 = arith.index_cast %add3A_148 : i32 to index
        %get3A_200 = arith.index_cast %mul3A_198 : i32 to index
        %get3A_201 = tpu.vector_load %arg5[%get3A_199, %get3A_200] {strides = array<i32>} : memref<64x1024xf32, #tpu.memory_space<vmem>>, vector<16xf32>,
        %gt3A_202 = arith.cmpf ogt, %get3A_201, %scan3A_141 : vector<16xf32>
        %gt3A_203 = arith.cmpf ogt, %get3A_201, %scan3A_142 : vector<16xf32>
        %select_n3A_204 = arith.select %gt3A_203, %mul3A_152, %scan3A_144 : vector<16xi1>, vector<16xi32>
        %select_n3A_205 = arith.select %gt3A_202, %scan3A_143, %select_n3A_204 : vector<16xi1>, vector<16xi32>
        %select_n3A_206 = arith.select %gt3A_203, %get3A_201, %scan3A_142 : vector<16xi1>, vector<16xf32>
        %select_n3A_207 = arith.select %gt3A_202, %scan3A_141, %select_n3A_206 : vector<16xi1>, vector<16xf32>
        %select_n3A_208 = arith.select %gt3A_202, %mul3A_152, %scan3A_143 : vector<16xi1>, vector<16xi32>
        %select_n3A_209 = arith.select %gt3A_202, %get3A_201, %scan3A_141 : vector<16xi1>, vector<16xf32>
        %mul3A_210 = arith.constant 4 : i32
        %mul3A_211 = arith.muli %scan3A_128, %mul3A_210 : i32
        %add3A_212 = arith.constant 1 : i32
        %add3A_213 = arith.addi %mul3A_211, %add3A_212 : i32
        %broadcast_in_dim3A_214 = arith.constant 1 : i32
        %broadcast_in_dim3A_215 = vector.broadcast %broadcast_in_dim3A_214 : i32 to vector<16xi32>
        %mul3A_216 = vector.broadcast %add3A_213 : i32 to vector<16xi32>
        %mul3A_217 = arith.muli %broadcast_in_dim3A_215, %mul3A_216 : vector<16xi32>
        %add3A_218 = arith.constant 0 : i32
        %add3A_219 = arith.addi %mul3A_16, %add3A_218 : i32
        %mul3A_220 = arith.constant 16 : i32
        %mul3A_221 = arith.muli %add3A_219, %mul3A_220 : i32
        %get3A_222 = arith.index_cast %add3A_213 : i32 to index
        %get3A_223 = arith.index_cast %mul3A_221 : i32 to index
        %get3A_224 = tpu.vector_load %arg5[%get3A_222, %get3A_223] {strides = array<i32>} : memref<64x1024xf32, #tpu.memory_space<vmem>>, vector<16xf32>,
        %gt3A_225 = arith.cmpf ogt, %get3A_224, %select_n3A_164 : vector<16xf32>
        %gt3A_226 = arith.cmpf ogt, %get3A_224, %select_n3A_162 : vector<16xf32>
        %select_n3A_227 = arith.select %gt3A_226, %mul3A_217, %select_n3A_160 : vector<16xi1>, vector<16xi32>
        %select_n3A_228 = arith.select %gt3A_225, %select_n3A_163, %select_n3A_227 : vector<16xi1>, vector<16xi32>
        %select_n3A_229 = arith.select %gt3A_226, %get3A_224, %select_n3A_162 : vector<16xi1>, vector<16xf32>
        %select_n3A_230 = arith.select %gt3A_225, %select_n3A_164, %select_n3A_229 : vector<16xi1>, vector<16xf32>
        %select_n3A_231 = arith.select %gt3A_225, %mul3A_217, %select_n3A_163 : vector<16xi1>, vector<16xi32>
        %select_n3A_232 = arith.select %gt3A_225, %get3A_224, %select_n3A_164 : vector<16xi1>, vector<16xf32>
        %add3A_233 = arith.constant 1 : i32
        %add3A_234 = arith.addi %mul3A_16, %add3A_233 : i32
        %mul3A_235 = arith.constant 16 : i32
        %mul3A_236 = arith.muli %add3A_234, %mul3A_235 : i32
        %get3A_237 = arith.index_cast %add3A_213 : i32 to index
        %get3A_238 = arith.index_cast %mul3A_236 : i32 to index
        %get3A_239 = tpu.vector_load %arg5[%get3A_237, %get3A_238] {strides = array<i32>} : memref<64x1024xf32, #tpu.memory_space<vmem>>, vector<16xf32>,
        %gt3A_240 = arith.cmpf ogt, %get3A_239, %select_n3A_179 : vector<16xf32>
        %gt3A_241 = arith.cmpf ogt, %get3A_239, %select_n3A_177 : vector<16xf32>
        %select_n3A_242 = arith.select %gt3A_241, %mul3A_217, %select_n3A_175 : vector<16xi1>, vector<16xi32>
        %select_n3A_243 = arith.select %gt3A_240, %select_n3A_178, %select_n3A_242 : vector<16xi1>, vector<16xi32>
        %select_n3A_244 = arith.select %gt3A_241, %get3A_239, %select_n3A_177 : vector<16xi1>, vector<16xf32>
        %select_n3A_245 = arith.select %gt3A_240, %select_n3A_179, %select_n3A_244 : vector<16xi1>, vector<16xf32>
        %select_n3A_246 = arith.select %gt3A_240, %mul3A_217, %select_n3A_178 : vector<16xi1>, vector<16xi32>
        %select_n3A_247 = arith.select %gt3A_240, %get3A_239, %select_n3A_179 : vector<16xi1>, vector<16xf32>
        %add3A_248 = arith.constant 2 : i32
        %add3A_249 = arith.addi %mul3A_16, %add3A_248 : i32
        %mul3A_250 = arith.constant 16 : i32
        %mul3A_251 = arith.muli %add3A_249, %mul3A_250 : i32
        %get3A_252 = arith.index_cast %add3A_213 : i32 to index
        %get3A_253 = arith.index_cast %mul3A_251 : i32 to index
        %get3A_254 = tpu.vector_load %arg5[%get3A_252, %get3A_253] {strides = array<i32>} : memref<64x1024xf32, #tpu.memory_space<vmem>>, vector<16xf32>,
        %gt3A_255 = arith.cmpf ogt, %get3A_254, %select_n3A_194 : vector<16xf32>
        %gt3A_256 = arith.cmpf ogt, %get3A_254, %select_n3A_192 : vector<16xf32>
        %select_n3A_257 = arith.select %gt3A_256, %mul3A_217, %select_n3A_190 : vector<16xi1>, vector<16xi32>
        %select_n3A_258 = arith.select %gt3A_255, %select_n3A_193, %select_n3A_257 : vector<16xi1>, vector<16xi32>
        %select_n3A_259 = arith.select %gt3A_256, %get3A_254, %select_n3A_192 : vector<16xi1>, vector<16xf32>
        %select_n3A_260 = arith.select %gt3A_255, %select_n3A_194, %select_n3A_259 : vector<16xi1>, vector<16xf32>
        %select_n3A_261 = arith.select %gt3A_255, %mul3A_217, %select_n3A_193 : vector<16xi1>, vector<16xi32>
        %select_n3A_262 = arith.select %gt3A_255, %get3A_254, %select_n3A_194 : vector<16xi1>, vector<16xf32>
        %add3A_263 = arith.constant 3 : i32
        %add3A_264 = arith.addi %mul3A_16, %add3A_263 : i32
        %mul3A_265 = arith.constant 16 : i32
        %mul3A_266 = arith.muli %add3A_264, %mul3A_265 : i32
        %get3A_267 = arith.index_cast %add3A_213 : i32 to index
        %get3A_268 = arith.index_cast %mul3A_266 : i32 to index
        %get3A_269 = tpu.vector_load %arg5[%get3A_267, %get3A_268] {strides = array<i32>} : memref<64x1024xf32, #tpu.memory_space<vmem>>, vector<16xf32>,
        %gt3A_270 = arith.cmpf ogt, %get3A_269, %select_n3A_209 : vector<16xf32>
        %gt3A_271 = arith.cmpf ogt, %get3A_269, %select_n3A_207 : vector<16xf32>
        %select_n3A_272 = arith.select %gt3A_271, %mul3A_217, %select_n3A_205 : vector<16xi1>, vector<16xi32>
        %select_n3A_273 = arith.select %gt3A_270, %select_n3A_208, %select_n3A_272 : vector<16xi1>, vector<16xi32>
        %select_n3A_274 = arith.select %gt3A_271, %get3A_269, %select_n3A_207 : vector<16xi1>, vector<16xf32>
        %select_n3A_275 = arith.select %gt3A_270, %select_n3A_209, %select_n3A_274 : vector<16xi1>, vector<16xf32>
        %select_n3A_276 = arith.select %gt3A_270, %mul3A_217, %select_n3A_208 : vector<16xi1>, vector<16xi32>
        %select_n3A_277 = arith.select %gt3A_270, %get3A_269, %select_n3A_209 : vector<16xi1>, vector<16xf32>
        %mul3A_278 = arith.constant 4 : i32
        %mul3A_279 = arith.muli %scan3A_128, %mul3A_278 : i32
        %add3A_280 = arith.constant 2 : i32
        %add3A_281 = arith.addi %mul3A_279, %add3A_280 : i32
        %broadcast_in_dim3A_282 = arith.constant 1 : i32
        %broadcast_in_dim3A_283 = vector.broadcast %broadcast_in_dim3A_282 : i32 to vector<16xi32>
        %mul3A_284 = vector.broadcast %add3A_281 : i32 to vector<16xi32>
        %mul3A_285 = arith.muli %broadcast_in_dim3A_283, %mul3A_284 : vector<16xi32>
        %add3A_286 = arith.constant 0 : i32
        %add3A_287 = arith.addi %mul3A_16, %add3A_286 : i32
        %mul3A_288 = arith.constant 16 : i32
        %mul3A_289 = arith.muli %add3A_287, %mul3A_288 : i32
        %get3A_290 = arith.index_cast %add3A_281 : i32 to index
        %get3A_291 = arith.index_cast %mul3A_289 : i32 to index
        %get3A_292 = tpu.vector_load %arg5[%get3A_290, %get3A_291] {strides = array<i32>} : memref<64x1024xf32, #tpu.memory_space<vmem>>, vector<16xf32>,
        %gt3A_293 = arith.cmpf ogt, %get3A_292, %select_n3A_232 : vector<16xf32>
        %gt3A_294 = arith.cmpf ogt, %get3A_292, %select_n3A_230 : vector<16xf32>
        %select_n3A_295 = arith.select %gt3A_294, %mul3A_285, %select_n3A_228 : vector<16xi1>, vector<16xi32>
        %select_n3A_296 = arith.select %gt3A_293, %select_n3A_231, %select_n3A_295 : vector<16xi1>, vector<16xi32>
        %select_n3A_297 = arith.select %gt3A_294, %get3A_292, %select_n3A_230 : vector<16xi1>, vector<16xf32>
        %select_n3A_298 = arith.select %gt3A_293, %select_n3A_232, %select_n3A_297 : vector<16xi1>, vector<16xf32>
        %select_n3A_299 = arith.select %gt3A_293, %mul3A_285, %select_n3A_231 : vector<16xi1>, vector<16xi32>
        %select_n3A_300 = arith.select %gt3A_293, %get3A_292, %select_n3A_232 : vector<16xi1>, vector<16xf32>
        %add3A_301 = arith.constant 1 : i32
        %add3A_302 = arith.addi %mul3A_16, %add3A_301 : i32
        %mul3A_303 = arith.constant 16 : i32
        %mul3A_304 = arith.muli %add3A_302, %mul3A_303 : i32
        %get3A_305 = arith.index_cast %add3A_281 : i32 to index
        %get3A_306 = arith.index_cast %mul3A_304 : i32 to index
        %get3A_307 = tpu.vector_load %arg5[%get3A_305, %get3A_306] {strides = array<i32>} : memref<64x1024xf32, #tpu.memory_space<vmem>>, vector<16xf32>,
        %gt3A_308 = arith.cmpf ogt, %get3A_307, %select_n3A_247 : vector<16xf32>
        %gt3A_309 = arith.cmpf ogt, %get3A_307, %select_n3A_245 : vector<16xf32>
        %select_n3A_310 = arith.select %gt3A_309, %mul3A_285, %select_n3A_243 : vector<16xi1>, vector<16xi32>
        %select_n3A_311 = arith.select %gt3A_308, %select_n3A_246, %select_n3A_310 : vector<16xi1>, vector<16xi32>
        %select_n3A_312 = arith.select %gt3A_309, %get3A_307, %select_n3A_245 : vector<16xi1>, vector<16xf32>
        %select_n3A_313 = arith.select %gt3A_308, %select_n3A_247, %select_n3A_312 : vector<16xi1>, vector<16xf32>
        %select_n3A_314 = arith.select %gt3A_308, %mul3A_285, %select_n3A_246 : vector<16xi1>, vector<16xi32>
        %select_n3A_315 = arith.select %gt3A_308, %get3A_307, %select_n3A_247 : vector<16xi1>, vector<16xf32>
        %add3A_316 = arith.constant 2 : i32
        %add3A_317 = arith.addi %mul3A_16, %add3A_316 : i32
        %mul3A_318 = arith.constant 16 : i32
        %mul3A_319 = arith.muli %add3A_317, %mul3A_318 : i32
        %get3A_320 = arith.index_cast %add3A_281 : i32 to index
        %get3A_321 = arith.index_cast %mul3A_319 : i32 to index
        %get3A_322 = tpu.vector_load %arg5[%get3A_320, %get3A_321] {strides = array<i32>} : memref<64x1024xf32, #tpu.memory_space<vmem>>, vector<16xf32>,
        %gt3A_323 = arith.cmpf ogt, %get3A_322, %select_n3A_262 : vector<16xf32>
        %gt3A_324 = arith.cmpf ogt, %get3A_322, %select_n3A_260 : vector<16xf32>
        %select_n3A_325 = arith.select %gt3A_324, %mul3A_285, %select_n3A_258 : vector<16xi1>, vector<16xi32>
        %select_n3A_326 = arith.select %gt3A_323, %select_n3A_261, %select_n3A_325 : vector<16xi1>, vector<16xi32>
        %select_n3A_327 = arith.select %gt3A_324, %get3A_322, %select_n3A_260 : vector<16xi1>, vector<16xf32>
        %select_n3A_328 = arith.select %gt3A_323, %select_n3A_262, %select_n3A_327 : vector<16xi1>, vector<16xf32>
        %select_n3A_329 = arith.select %gt3A_323, %mul3A_285, %select_n3A_261 : vector<16xi1>, vector<16xi32>
        %select_n3A_330 = arith.select %gt3A_323, %get3A_322, %select_n3A_262 : vector<16xi1>, vector<16xf32>
        %add3A_331 = arith.constant 3 : i32
        %add3A_332 = arith.addi %mul3A_16, %add3A_331 : i32
        %mul3A_333 = arith.constant 16 : i32
        %mul3A_334 = arith.muli %add3A_332, %mul3A_333 : i32
        %get3A_335 = arith.index_cast %add3A_281 : i32 to index
        %get3A_336 = arith.index_cast %mul3A_334 : i32 to index
        %get3A_337 = tpu.vector_load %arg5[%get3A_335, %get3A_336] {strides = array<i32>} : memref<64x1024xf32, #tpu.memory_space<vmem>>, vector<16xf32>,
        %gt3A_338 = arith.cmpf ogt, %get3A_337, %select_n3A_277 : vector<16xf32>
        %gt3A_339 = arith.cmpf ogt, %get3A_337, %select_n3A_275 : vector<16xf32>
        %select_n3A_340 = arith.select %gt3A_339, %mul3A_285, %select_n3A_273 : vector<16xi1>, vector<16xi32>
        %select_n3A_341 = arith.select %gt3A_338, %select_n3A_276, %select_n3A_340 : vector<16xi1>, vector<16xi32>
        %select_n3A_342 = arith.select %gt3A_339, %get3A_337, %select_n3A_275 : vector<16xi1>, vector<16xf32>
        %select_n3A_343 = arith.select %gt3A_338, %select_n3A_277, %select_n3A_342 : vector<16xi1>, vector<16xf32>
        %select_n3A_344 = arith.select %gt3A_338, %mul3A_285, %select_n3A_276 : vector<16xi1>, vector<16xi32>
        %select_n3A_345 = arith.select %gt3A_338, %get3A_337, %select_n3A_277 : vector<16xi1>, vector<16xf32>
        %mul3A_346 = arith.constant 4 : i32
        %mul3A_347 = arith.muli %scan3A_128, %mul3A_346 : i32
        %add3A_348 = arith.constant 3 : i32
        %add3A_349 = arith.addi %mul3A_347, %add3A_348 : i32
        %broadcast_in_dim3A_350 = arith.constant 1 : i32
        %broadcast_in_dim3A_351 = vector.broadcast %broadcast_in_dim3A_350 : i32 to vector<16xi32>
        %mul3A_352 = vector.broadcast %add3A_349 : i32 to vector<16xi32>
        %mul3A_353 = arith.muli %broadcast_in_dim3A_351, %mul3A_352 : vector<16xi32>
        %add3A_354 = arith.constant 0 : i32
        %add3A_355 = arith.addi %mul3A_16, %add3A_354 : i32
        %mul3A_356 = arith.constant 16 : i32
        %mul3A_357 = arith.muli %add3A_355, %mul3A_356 : i32
        %get3A_358 = arith.index_cast %add3A_349 : i32 to index
        %get3A_359 = arith.index_cast %mul3A_357 : i32 to index
        %get3A_360 = tpu.vector_load %arg5[%get3A_358, %get3A_359] {strides = array<i32>} : memref<64x1024xf32, #tpu.memory_space<vmem>>, vector<16xf32>,
        %gt3A_361 = arith.cmpf ogt, %get3A_360, %select_n3A_300 : vector<16xf32>
        %gt3A_362 = arith.cmpf ogt, %get3A_360, %select_n3A_298 : vector<16xf32>
        %select_n3A_363 = arith.select %gt3A_362, %mul3A_353, %select_n3A_296 : vector<16xi1>, vector<16xi32>
        %select_n3A_364 = arith.select %gt3A_361, %select_n3A_299, %select_n3A_363 : vector<16xi1>, vector<16xi32>
        %select_n3A_365 = arith.select %gt3A_362, %get3A_360, %select_n3A_298 : vector<16xi1>, vector<16xf32>
        %select_n3A_366 = arith.select %gt3A_361, %select_n3A_300, %select_n3A_365 : vector<16xi1>, vector<16xf32>
        %select_n3A_367 = arith.select %gt3A_361, %mul3A_353, %select_n3A_299 : vector<16xi1>, vector<16xi32>
        %select_n3A_368 = arith.select %gt3A_361, %get3A_360, %select_n3A_300 : vector<16xi1>, vector<16xf32>
        %add3A_369 = arith.constant 1 : i32
        %add3A_370 = arith.addi %mul3A_16, %add3A_369 : i32
        %mul3A_371 = arith.constant 16 : i32
        %mul3A_372 = arith.muli %add3A_370, %mul3A_371 : i32
        %get3A_373 = arith.index_cast %add3A_349 : i32 to index
        %get3A_374 = arith.index_cast %mul3A_372 : i32 to index
        %get3A_375 = tpu.vector_load %arg5[%get3A_373, %get3A_374] {strides = array<i32>} : memref<64x1024xf32, #tpu.memory_space<vmem>>, vector<16xf32>,
        %gt3A_376 = arith.cmpf ogt, %get3A_375, %select_n3A_315 : vector<16xf32>
        %gt3A_377 = arith.cmpf ogt, %get3A_375, %select_n3A_313 : vector<16xf32>
        %select_n3A_378 = arith.select %gt3A_377, %mul3A_353, %select_n3A_311 : vector<16xi1>, vector<16xi32>
        %select_n3A_379 = arith.select %gt3A_376, %select_n3A_314, %select_n3A_378 : vector<16xi1>, vector<16xi32>
        %select_n3A_380 = arith.select %gt3A_377, %get3A_375, %select_n3A_313 : vector<16xi1>, vector<16xf32>
        %select_n3A_381 = arith.select %gt3A_376, %select_n3A_315, %select_n3A_380 : vector<16xi1>, vector<16xf32>
        %select_n3A_382 = arith.select %gt3A_376, %mul3A_353, %select_n3A_314 : vector<16xi1>, vector<16xi32>
        %select_n3A_383 = arith.select %gt3A_376, %get3A_375, %select_n3A_315 : vector<16xi1>, vector<16xf32>
        %add3A_384 = arith.constant 2 : i32
        %add3A_385 = arith.addi %mul3A_16, %add3A_384 : i32
        %mul3A_386 = arith.constant 16 : i32
        %mul3A_387 = arith.muli %add3A_385, %mul3A_386 : i32
        %get3A_388 = arith.index_cast %add3A_349 : i32 to index
        %get3A_389 = arith.index_cast %mul3A_387 : i32 to index
        %get3A_390 = tpu.vector_load %arg5[%get3A_388, %get3A_389] {strides = array<i32>} : memref<64x1024xf32, #tpu.memory_space<vmem>>, vector<16xf32>,
        %gt3A_391 = arith.cmpf ogt, %get3A_390, %select_n3A_330 : vector<16xf32>
        %gt3A_392 = arith.cmpf ogt, %get3A_390, %select_n3A_328 : vector<16xf32>
        %select_n3A_393 = arith.select %gt3A_392, %mul3A_353, %select_n3A_326 : vector<16xi1>, vector<16xi32>
        %select_n3A_394 = arith.select %gt3A_391, %select_n3A_329, %select_n3A_393 : vector<16xi1>, vector<16xi32>
        %select_n3A_395 = arith.select %gt3A_392, %get3A_390, %select_n3A_328 : vector<16xi1>, vector<16xf32>
        %select_n3A_396 = arith.select %gt3A_391, %select_n3A_330, %select_n3A_395 : vector<16xi1>, vector<16xf32>
        %select_n3A_397 = arith.select %gt3A_391, %mul3A_353, %select_n3A_329 : vector<16xi1>, vector<16xi32>
        %select_n3A_398 = arith.select %gt3A_391, %get3A_390, %select_n3A_330 : vector<16xi1>, vector<16xf32>
        %add3A_399 = arith.constant 3 : i32
        %add3A_400 = arith.addi %mul3A_16, %add3A_399 : i32
        %mul3A_401 = arith.constant 16 : i32
        %mul3A_402 = arith.muli %add3A_400, %mul3A_401 : i32
        %get3A_403 = arith.index_cast %add3A_349 : i32 to index
        %get3A_404 = arith.index_cast %mul3A_402 : i32 to index
        %get3A_405 = tpu.vector_load %arg5[%get3A_403, %get3A_404] {strides = array<i32>} : memref<64x1024xf32, #tpu.memory_space<vmem>>, vector<16xf32>,
        %gt3A_406 = arith.cmpf ogt, %get3A_405, %select_n3A_345 : vector<16xf32>
        %gt3A_407 = arith.cmpf ogt, %get3A_405, %select_n3A_343 : vector<16xf32>
        %select_n3A_408 = arith.select %gt3A_407, %mul3A_353, %select_n3A_341 : vector<16xi1>, vector<16xi32>
        %select_n3A_409 = arith.select %gt3A_406, %select_n3A_344, %select_n3A_408 : vector<16xi1>, vector<16xi32>
        %select_n3A_410 = arith.select %gt3A_407, %get3A_405, %select_n3A_343 : vector<16xi1>, vector<16xf32>
        %select_n3A_411 = arith.select %gt3A_406, %select_n3A_345, %select_n3A_410 : vector<16xi1>, vector<16xf32>
        %select_n3A_412 = arith.select %gt3A_406, %mul3A_353, %select_n3A_344 : vector<16xi1>, vector<16xi32>
        %select_n3A_413 = arith.select %gt3A_406, %get3A_405, %select_n3A_345 : vector<16xi1>, vector<16xf32>
        scf.yield %select_n3A_368, %select_n3A_366, %select_n3A_367, %select_n3A_364, %select_n3A_383, %select_n3A_381, %select_n3A_382, %select_n3A_379, %select_n3A_398, %select_n3A_396, %select_n3A_397, %select_n3A_394, %select_n3A_413, %select_n3A_411, %select_n3A_412, %select_n3A_409 : vector<16xf32>, vector<16xf32>, vector<16xi32>, vector<16xi32>, vector<16xf32>, vector<16xf32>, vector<16xi32>, vector<16xi32>, vector<16xf32>, vector<16xf32>, vector<16xi32>, vector<16xi32>, vector<16xf32>, vector<16xf32>, vector<16xi32>, vector<16xi32>
      }
      %scan3A_25 = arith.constant 16 : i32
      %sub3A = arith.subf %scan3A_24#1, %scan3A_24#0 : vector<16xf32>
      %exp3A = math.exp %sub3A : vector<16xf32>
      %add3A_26 = arith.constant 1.000000e+00 : f32
      %add3A_27 = vector.broadcast %add3A_26 : f32 to vector<16xf32>
      %add3A_28 = arith.addf %add3A_27, %exp3A : vector<16xf32>
      %div3A = arith.constant 1.000000e+00 : f32
      %div3A_29 = vector.broadcast %div3A : f32 to vector<16xf32>
      %div3A_30 = arith.divf %div3A_29, %add3A_28 : vector<16xf32>
      %sub3A_31 = arith.constant 1.000000e+00 : f32
      %sub3A_32 = vector.broadcast %sub3A_31 : f32 to vector<16xf32>
      %sub3A_33 = arith.subf %sub3A_32, %div3A_30 : vector<16xf32>
      %add3A_34 = arith.constant 0 : i32
      %add3A_35 = arith.addi %mul3A_16, %add3A_34 : i32
      %mul3A_36 = arith.constant 16 : i32
      %mul3A_37 = arith.muli %add3A_35, %mul3A_36 : i32
      %add3A_38 = vector.broadcast %mul3A_37 : i32 to vector<16xi32>
      %add3A_39 = arith.addi %add3A_38, %iota3A : vector<16xi32>
      %mul3A_40 = arith.constant 2 : i32
      %mul3A_41 = vector.broadcast %mul3A_40 : i32 to vector<16xi32>
      %mul3A_42 = arith.muli %add3A_39, %mul3A_41 : vector<16xi32>
      tpu.vector_store_idx %arg6[%mul3A_42], %div3A_30 : memref<2048xf32, #tpu.memory_space<vmem>>[vector<16xi32>], vector<16xf32>,
      %add3A_43 = arith.constant 1 : i32
      %add3A_44 = vector.broadcast %add3A_43 : i32 to vector<16xi32>
      %add3A_45 = arith.addi %mul3A_42, %add3A_44 : vector<16xi32>
      tpu.vector_store_idx %arg6[%add3A_45], %sub3A_33 : memref<2048xf32, #tpu.memory_space<vmem>>[vector<16xi32>], vector<16xf32>,
      tpu.vector_store_idx %arg7[%mul3A_42], %scan3A_24#2 : memref<2048xi32, #tpu.memory_space<vmem>>[vector<16xi32>], vector<16xi32>,
      %add3A_46 = arith.constant 1 : i32
      %add3A_47 = vector.broadcast %add3A_46 : i32 to vector<16xi32>
      %add3A_48 = arith.addi %mul3A_42, %add3A_47 : vector<16xi32>
      tpu.vector_store_idx %arg7[%add3A_48], %scan3A_24#3 : memref<2048xi32, #tpu.memory_space<vmem>>[vector<16xi32>], vector<16xi32>,
      %sub3A_49 = arith.subf %scan3A_24#5, %scan3A_24#4 : vector<16xf32>
      %exp3A_50 = math.exp %sub3A_49 : vector<16xf32>
      %add3A_51 = arith.constant 1.000000e+00 : f32
      %add3A_52 = vector.broadcast %add3A_51 : f32 to vector<16xf32>
      %add3A_53 = arith.addf %add3A_52, %exp3A_50 : vector<16xf32>
      %div3A_54 = arith.constant 1.000000e+00 : f32
      %div3A_55 = vector.broadcast %div3A_54 : f32 to vector<16xf32>
      %div3A_56 = arith.divf %div3A_55, %add3A_53 : vector<16xf32>
      %sub3A_57 = arith.constant 1.000000e+00 : f32
      %sub3A_58 = vector.broadcast %sub3A_57 : f32 to vector<16xf32>
      %sub3A_59 = arith.subf %sub3A_58, %div3A_56 : vector<16xf32>
      %add3A_60 = arith.constant 1 : i32
      %add3A_61 = arith.addi %mul3A_16, %add3A_60 : i32
      %mul3A_62 = arith.constant 16 : i32
      %mul3A_63 = arith.muli %add3A_61, %mul3A_62 : i32
      %add3A_64 = vector.broadcast %mul3A_63 : i32 to vector<16xi32>
      %add3A_65 = arith.addi %add3A_64, %iota3A : vector<16xi32>
      %mul3A_66 = arith.constant 2 : i32
      %mul3A_67 = vector.broadcast %mul3A_66 : i32 to vector<16xi32>
      %mul3A_68 = arith.muli %add3A_65, %mul3A_67 : vector<16xi32>
      tpu.vector_store_idx %arg6[%mul3A_68], %div3A_56 : memref<2048xf32, #tpu.memory_space<vmem>>[vector<16xi32>], vector<16xf32>,
      %add3A_69 = arith.constant 1 : i32
      %add3A_70 = vector.broadcast %add3A_69 : i32 to vector<16xi32>
      %add3A_71 = arith.addi %mul3A_68, %add3A_70 : vector<16xi32>
      tpu.vector_store_idx %arg6[%add3A_71], %sub3A_59 : memref<2048xf32, #tpu.memory_space<vmem>>[vector<16xi32>], vector<16xf32>,
      tpu.vector_store_idx %arg7[%mul3A_68], %scan3A_24#6 : memref<2048xi32, #tpu.memory_space<vmem>>[vector<16xi32>], vector<16xi32>,
      %add3A_72 = arith.constant 1 : i32
      %add3A_73 = vector.broadcast %add3A_72 : i32 to vector<16xi32>
      %add3A_74 = arith.addi %mul3A_68, %add3A_73 : vector<16xi32>
      tpu.vector_store_idx %arg7[%add3A_74], %scan3A_24#7 : memref<2048xi32, #tpu.memory_space<vmem>>[vector<16xi32>], vector<16xi32>,
      %sub3A_75 = arith.subf %scan3A_24#9, %scan3A_24#8 : vector<16xf32>
      %exp3A_76 = math.exp %sub3A_75 : vector<16xf32>
      %add3A_77 = arith.constant 1.000000e+00 : f32
      %add3A_78 = vector.broadcast %add3A_77 : f32 to vector<16xf32>
      %add3A_79 = arith.addf %add3A_78, %exp3A_76 : vector<16xf32>
      %div3A_80 = arith.constant 1.000000e+00 : f32
      %div3A_81 = vector.broadcast %div3A_80 : f32 to vector<16xf32>
      %div3A_82 = arith.divf %div3A_81, %add3A_79 : vector<16xf32>
      %sub3A_83 = arith.constant 1.000000e+00 : f32
      %sub3A_84 = vector.broadcast %sub3A_83 : f32 to vector<16xf32>
      %sub3A_85 = arith.subf %sub3A_84, %div3A_82 : vector<16xf32>
      %add3A_86 = arith.constant 2 : i32
      %add3A_87 = arith.addi %mul3A_16, %add3A_86 : i32
      %mul3A_88 = arith.constant 16 : i32
      %mul3A_89 = arith.muli %add3A_87, %mul3A_88 : i32
      %add3A_90 = vector.broadcast %mul3A_89 : i32 to vector<16xi32>
      %add3A_91 = arith.addi %add3A_90, %iota3A : vector<16xi32>
      %mul3A_92 = arith.constant 2 : i32
      %mul3A_93 = vector.broadcast %mul3A_92 : i32 to vector<16xi32>
      %mul3A_94 = arith.muli %add3A_91, %mul3A_93 : vector<16xi32>
      tpu.vector_store_idx %arg6[%mul3A_94], %div3A_82 : memref<2048xf32, #tpu.memory_space<vmem>>[vector<16xi32>], vector<16xf32>,
      %add3A_95 = arith.constant 1 : i32
      %add3A_96 = vector.broadcast %add3A_95 : i32 to vector<16xi32>
      %add3A_97 = arith.addi %mul3A_94, %add3A_96 : vector<16xi32>
      tpu.vector_store_idx %arg6[%add3A_97], %sub3A_85 : memref<2048xf32, #tpu.memory_space<vmem>>[vector<16xi32>], vector<16xf32>,
      tpu.vector_store_idx %arg7[%mul3A_94], %scan3A_24#10 : memref<2048xi32, #tpu.memory_space<vmem>>[vector<16xi32>], vector<16xi32>,
      %add3A_98 = arith.constant 1 : i32
      %add3A_99 = vector.broadcast %add3A_98 : i32 to vector<16xi32>
      %add3A_100 = arith.addi %mul3A_94, %add3A_99 : vector<16xi32>
      tpu.vector_store_idx %arg7[%add3A_100], %scan3A_24#11 : memref<2048xi32, #tpu.memory_space<vmem>>[vector<16xi32>], vector<16xi32>,
      %sub3A_101 = arith.subf %scan3A_24#13, %scan3A_24#12 : vector<16xf32>
      %exp3A_102 = math.exp %sub3A_101 : vector<16xf32>
      %add3A_103 = arith.constant 1.000000e+00 : f32
      %add3A_104 = vector.broadcast %add3A_103 : f32 to vector<16xf32>
      %add3A_105 = arith.addf %add3A_104, %exp3A_102 : vector<16xf32>
      %div3A_106 = arith.constant 1.000000e+00 : f32
      %div3A_107 = vector.broadcast %div3A_106 : f32 to vector<16xf32>
      %div3A_108 = arith.divf %div3A_107, %add3A_105 : vector<16xf32>
      %sub3A_109 = arith.constant 1.000000e+00 : f32
      %sub3A_110 = vector.broadcast %sub3A_109 : f32 to vector<16xf32>
      %sub3A_111 = arith.subf %sub3A_110, %div3A_108 : vector<16xf32>
      %add3A_112 = arith.constant 3 : i32
      %add3A_113 = arith.addi %mul3A_16, %add3A_112 : i32
      %mul3A_114 = arith.constant 16 : i32
      %mul3A_115 = arith.muli %add3A_113, %mul3A_114 : i32
      %add3A_116 = vector.broadcast %mul3A_115 : i32 to vector<16xi32>
      %add3A_117 = arith.addi %add3A_116, %iota3A : vector<16xi32>
      %mul3A_118 = arith.constant 2 : i32
      %mul3A_119 = vector.broadcast %mul3A_118 : i32 to vector<16xi32>
      %mul3A_120 = arith.muli %add3A_117, %mul3A_119 : vector<16xi32>
      tpu.vector_store_idx %arg6[%mul3A_120], %div3A_108 : memref<2048xf32, #tpu.memory_space<vmem>>[vector<16xi32>], vector<16xf32>,
      %add3A_121 = arith.constant 1 : i32
      %add3A_122 = vector.broadcast %add3A_121 : i32 to vector<16xi32>
      %add3A_123 = arith.addi %mul3A_120, %add3A_122 : vector<16xi32>
      tpu.vector_store_idx %arg6[%add3A_123], %sub3A_111 : memref<2048xf32, #tpu.memory_space<vmem>>[vector<16xi32>], vector<16xf32>,
      tpu.vector_store_idx %arg7[%mul3A_120], %scan3A_24#14 : memref<2048xi32, #tpu.memory_space<vmem>>[vector<16xi32>], vector<16xi32>,
      %add3A_124 = arith.constant 1 : i32
      %add3A_125 = vector.broadcast %add3A_124 : i32 to vector<16xi32>
      %add3A_126 = arith.addi %mul3A_120, %add3A_125 : vector<16xi32>
      tpu.vector_store_idx %arg7[%add3A_126], %scan3A_24#15 : memref<2048xi32, #tpu.memory_space<vmem>>[vector<16xi32>], vector<16xi32>,
      %scan3A_127 = arith.constant 0 : i32
      scf.yield %scan3A_127 : i32
    }
    %scan3A_8 = arith.constant 16 : i32
    %mul3A_9 = arith.constant 2 : i32
    %mul3A_10 = arith.muli %mul3A_2, %mul3A_9 : i32
    "tpu.region"() ({
      %run_scoped3A = tpu.sem_alloc : memref<!tpu.dma_semaphore, #tpu.memory_space<semaphore_mem>>
      %dma_start3A = tpu.memref_slice %arg3[%mul3A_10] : memref<65536xf32, #tpu.memory_space<hbm>> -> memref<2048xf32, #tpu.memory_space<hbm>>
      %dma_start3A_13 = tpu.memref_slice %arg3[%mul3A_10] : memref<65536xf32, #tpu.memory_space<hbm>> -> memref<2048xf32, #tpu.memory_space<hbm>>
      tpu.enqueue_dma source(%arg6 : memref<2048xf32, #tpu.memory_space<vmem>>) target(%dma_start3A_13 : memref<2048xf32, #tpu.memory_space<hbm>>) target_semaphore(%run_scoped3A : memref<!tpu.dma_semaphore, #tpu.memory_space<semaphore_mem>>)
      %dma_wait3A = tpu.memref_slice %arg3[%mul3A_10] : memref<65536xf32, #tpu.memory_space<hbm>> -> memref<2048xf32, #tpu.memory_space<hbm>>
      %dma_wait3A_14 = tpu.memref_slice %arg3[%mul3A_10] : memref<65536xf32, #tpu.memory_space<hbm>> -> memref<2048xf32, #tpu.memory_space<hbm>>
      tpu.wait_dma2 semaphore(%run_scoped3A : memref<!tpu.dma_semaphore, #tpu.memory_space<semaphore_mem>>) src(%arg6 : memref<2048xf32, #tpu.memory_space<vmem>>) dst(%dma_wait3A_14 : memref<2048xf32, #tpu.memory_space<hbm>>)
      tpu.yield
    }) : () -> ()
    %mul3A_11 = arith.constant 2 : i32
    %mul3A_12 = arith.muli %mul3A_2, %mul3A_11 : i32
    "tpu.region"() ({
      %run_scoped3A = tpu.sem_alloc : memref<!tpu.dma_semaphore, #tpu.memory_space<semaphore_mem>>
      %dma_start3A = tpu.memref_slice %arg4[%mul3A_12] : memref<65536xi32, #tpu.memory_space<hbm>> -> memref<2048xi32, #tpu.memory_space<hbm>>
      %dma_start3A_13 = tpu.memref_slice %arg4[%mul3A_12] : memref<65536xi32, #tpu.memory_space<hbm>> -> memref<2048xi32, #tpu.memory_space<hbm>>
      tpu.enqueue_dma source(%arg7 : memref<2048xi32, #tpu.memory_space<vmem>>) target(%dma_start3A_13 : memref<2048xi32, #tpu.memory_space<hbm>>) target_semaphore(%run_scoped3A : memref<!tpu.dma_semaphore, #tpu.memory_space<semaphore_mem>>)
      %dma_wait3A = tpu.memref_slice %arg4[%mul3A_12] : memref<65536xi32, #tpu.memory_space<hbm>> -> memref<2048xi32, #tpu.memory_space<hbm>>
      %dma_wait3A_14 = tpu.memref_slice %arg4[%mul3A_12] : memref<65536xi32, #tpu.memory_space<hbm>> -> memref<2048xi32, #tpu.memory_space<hbm>>
      tpu.wait_dma2 semaphore(%run_scoped3A : memref<!tpu.dma_semaphore, #tpu.memory_space<semaphore_mem>>) src(%arg7 : memref<2048xi32, #tpu.memory_space<vmem>>) dst(%dma_wait3A_14 : memref<2048xi32, #tpu.memory_space<hbm>>)
      tpu.yield
    }) : () -> ()
    return
  }
}

module attributes {stable_mosaic.version = 14 : i64} {
  func.func @_logits_block(%arg0: i32, %arg1: memref<4096x768xf32, #tpu.memory_space<vmem>>, %arg2: memref<768x64xf32, #tpu.memory_space<vmem>>, %arg3: memref<64xf32, #tpu.memory_space<vmem>>, %arg4: memref<4096x64xf32, #tpu.memory_space<vmem>>, %arg5: memref<64x4096xf32, #tpu.memory_space<vmem>>) attributes {dimension_semantics = [#tpu.dimension_semantics<arbitrary>], iteration_bounds = array<i64: 8>, scalar_prefetch = 0 : i64, scratch_operands = 0 : i64, tpu.core_type = #tpu.core_type<tc>, window_params = [{transform_indices = @transform_0, window_bounds = array<i64: 4096, 768>}, {pipeline_mode = #tpu.pipeline_mode<synchronous>, transform_indices = @transform_1, window_bounds = array<i64: 768, 64>}, {pipeline_mode = #tpu.pipeline_mode<synchronous>, transform_indices = @transform_2, window_bounds = array<i64: 64>}, {transform_indices = @transform_3, window_bounds = array<i64: 4096, 64>}, {transform_indices = @transform_4, window_bounds = array<i64: 64, 4096>}]} {
    %get3A = arith.constant 0 : index
    %get3A_0 = arith.constant 0 : index
    %get3A_1 = vector.load %arg1[%get3A, %get3A_0] : memref<4096x768xf32, #tpu.memory_space<vmem>>, vector<4096x768xf32>
    %get3A_2 = arith.constant 0 : index
    %get3A_3 = arith.constant 0 : index
    %get3A_4 = vector.load %arg2[%get3A_2, %get3A_3] : memref<768x64xf32, #tpu.memory_space<vmem>>, vector<768x64xf32>
    %dot_general3A = arith.constant dense<0.000000e+00> : vector<4096x64xf32>
    %dot_general3A_5 = tpu.matmul %get3A_1, %get3A_4, %dot_general3A {dimension_numbers = #tpu.dot_dimension_numbers<[1], [0], [0], [1], [0, 0, 1, 1], [], []>, transpose_lhs_hint = false} : vector<4096x768xf32>, vector<768x64xf32>, vector<4096x64xf32> -> vector<4096x64xf32>
    %get3A_6 = arith.constant 0 : index
    %get3A_7 = vector.load %arg3[%get3A_6] : memref<64xf32, #tpu.memory_space<vmem>>, vector<64xf32>
    %broadcast_in_dim3A = vector.shape_cast %get3A_7 : vector<64xf32> to vector<1x64xf32>
    %add3A = vector.broadcast %broadcast_in_dim3A : vector<1x64xf32> to vector<4096x64xf32>
    %add3A_8 = arith.addf %dot_general3A_5, %add3A : vector<4096x64xf32>
    %swap3A = arith.constant 0 : index
    %swap3A_9 = arith.constant 0 : index
    %swap3A_10 = vector.load %arg4[%swap3A, %swap3A_9] : memref<4096x64xf32, #tpu.memory_space<vmem>>, vector<4096x64xf32>
    tpu.vector_store %arg4[%swap3A, %swap3A_9], %add3A_8 {strides = array<i32>} : memref<4096x64xf32, #tpu.memory_space<vmem>>, vector<4096x64xf32>,
    %transpose3A = tpu.transpose %add3A_8, [1, 0] : vector<4096x64xf32> -> vector<64x4096xf32>
    %swap3A_11 = arith.constant 0 : index
    %swap3A_12 = arith.constant 0 : index
    %swap3A_13 = vector.load %arg5[%swap3A_11, %swap3A_12] : memref<64x4096xf32, #tpu.memory_space<vmem>>, vector<64x4096xf32>
    tpu.vector_store %arg5[%swap3A_11, %swap3A_12], %transpose3A {strides = array<i32>} : memref<64x4096xf32, #tpu.memory_space<vmem>>, vector<64x4096xf32>,
    return
  }
  func.func @transform_0(%arg0: i32) -> (i32, i32) {
    %c0_i32 = arith.constant 0 : i32
    %c0_i32_0 = arith.constant 0 : i32
    return %arg0, %c0_i32 : i32, i32
  }
  func.func @transform_1(%arg0: i32) -> (i32, i32) {
    %c0_i32 = arith.constant 0 : i32
    %c0_i32_0 = arith.constant 0 : i32
    %c0_i32_1 = arith.constant 0 : i32
    return %c0_i32, %c0_i32_0 : i32, i32
  }
  func.func @transform_2(%arg0: i32) -> i32 {
    %c0_i32 = arith.constant 0 : i32
    %c0_i32_0 = arith.constant 0 : i32
    return %c0_i32 : i32
  }
  func.func @transform_3(%arg0: i32) -> (i32, i32) {
    %c0_i32 = arith.constant 0 : i32
    %c0_i32_0 = arith.constant 0 : i32
    return %arg0, %c0_i32 : i32, i32
  }
  func.func @transform_4(%arg0: i32) -> (i32, i32) {
    %c0_i32 = arith.constant 0 : i32
    %c0_i32_0 = arith.constant 0 : i32
    return %c0_i32, %arg0 : i32, i32
  }
}

</mosaic_0001>

<sc_bundles>
// kernel: kernel.4.cloned.1.call-start
scs
__scs_entry_jumppad:
0x0: {  	(pc) =	sbr.rel $0x88, $3  }
0x1: {  	(tag) =	ssettag $0x0;
	lr =	simm.s32 $0x1  }
0x2: {  	[smem:$0x3F9E] =	sst lr;
	_ =	strace $0xD0000000  }
0x3: {  	_ = 	snop  }
0x4: {  	_ = 	snop  }
0x5: {  	_ = 	snop  }
0x6: {  	_ = 	snop  }
0x7: {  	_ = 	snop  }
__scs_overlays_trampoline_lowered:
0x8: {  	[smem:$0x3FAD] =	sst s0  }
0x9: {  	[smem:$0x3FAE] =	sst s1  }
0xa: {  	[smem:$0x3FAF] =	sst s2  }
0xb: {  	[smem:$0x3FB0] =	sst s3  }
0xc: {  	[smem:$0x3FB1] =	sst s4  }
0xd: {  	[smem:$0x3FB2] =	sst s5  }
0xe: {  	[smem:$0x3FB3] =	sst s6  }
0xf: {  	[smem:$0x3FB4] =	sst s7  }
0x10: {  	[smem:$0x3FB5] =	sst s8  }
0x11: {  	[smem:$0x3FB6] =	sst s9;
	s0 =	simm.s32 @!p0 $0x0  }
0x12: {  	s1 =	sld [smem:$0x3F9C];
	s0 =	simm.s32 @p0 $0x1  }
0x13: {  	[smem:$0x3FB7] =	sst s0;
	s0 =	simm.s32 @!p1 $0x0  }
0x14: {  	s2 =	sld [smem:$0x3F9B];
	s0 =	simm.s32 @p1 $0x1  }
0x15: {  	[smem:$0x3FB8] =	sst s0;
	s0 =	simm.s32 @!p2 $0x0  }
0x16: {  	s3 =	sld [smem:$0x3FDB];
	s0 =	simm.s32 @p2 $0x1  }
0x17: {  	s4 =	simm.s32 $0x1BF5;
	[smem:$0x3FBA] =	sst s0  }
0x18: {  	s0 =	sld [smem:$0x3F9D];
	_ =	swait.ge [sflag:s4], $0x0  }
0x19: {  	s7 =	sld [smem:$0x3F9E]  }
0x1a: {  	s8 =	sadd.s32 $0xFFFFE003, lr  }
0x1b: {  	s9 =	sadd.s32 $0xFFFFFEF7, lr;
	s5 =	simm.s32 $0xFFFFFFFF;
	p2 =	slt.u32 s8, $0xFFFFF086  }
0x1c: {  	p1 =	slt.u32 s9, $0xF7A;
	s5 =	simm.s32 @!p2 $0x0  }
0x1d: {  	s5 =	simm.s32 @p1 $0x1;
	p0 =	seq.s32 s7, s2  }
0x1e: {  	s7 =	smul.u32 @!p0 $0xF7A, s2;
	p2 =	seq.s32 @!p0 s5, $0x0  }
0x1f: {  	s9 =	smul.u32 $0xF7A, s1;
	s8 =	simm.s32 @!p0 $0x1BF5;
	p2 =	por !p2, p0  }
0x20: {  	[sflag:s8] =	ssyncset.s32 @!p0 $0xFFFFF086;
	s6 =	sadd.s32 @!p0 s3, s7;
	s7 =	simm.s32 @!p0 $0x108  }
0x21: {  	s3 =	sadd.s32 s3, s9;
	s6 =	sadd.s32 @!p0 $0x88, s6;
	s7 =	simm.s32 @p2 $0x1082  }
0x22: {  	[simem:s7], [sflag:s8] =	dma.local @!p0 [hbm:s6], $0xF7A  }
0x23: {  	s9 =	sor.u32 $0xD0000000, s2;
	s6 =	simm.s32 $0x108;
	_ =	swait.ge @!p0 [sflag:s8], $0x0  }
0x24: {  	s3 =	sadd.s32 $0x88, s3;
	s6 =	simm.s32 @!p1 $0x1082;
	[sflag:s4] =	ssyncset.s32 $0xFFFFF086  }
0x25: {  	[simem:s6], [sflag:s4] =	dma.local [hbm:s3], $0xF7A  }
0x26: {  	[smem:$0x3F9E] =	sst s1;
	(tag) =	ssettag s2;
	_ =	strace s9  }
0x27: {  	s1 =	sld [smem:$0x3FAE]  }
0x28: {  	s2 =	sld [smem:$0x3FAF]  }
0x29: {  	s4 =	sld [smem:$0x3FB1]  }
0x2a: {  	p0 =	seq.s32 s5, $0x0;
	s5 =	sld [smem:$0x3FB2]  }
0x2b: {  	s6 =	sld [smem:$0x3FB3]  }
0x2c: {  	s7 =	sld [smem:$0x3FB4]  }
0x2d: {  	s3 =	simm.s32 $0x108;
	s8 =	sld [smem:$0x3FB5]  }
0x2e: {  	s3 =	simm.s32 @!p0 $0x1082;
	s9 =	sld [smem:$0x3FB6]  }
0x2f: {  	lr =	sadd.s32 s0, s3;
	s0 =	sld [smem:$0x3FAD]  }
0x30: {  	s3 =	sld [smem:$0x3FB0]  }
0x31: {  	[smem:$0x3FB9] =	sst s10  }
0x32: {  	s10 =	sld [smem:$0x3FB7];
	_ =	sdelay $0x3  }
0x33: {  	p0 =	seq.s32 s10, $0x1;
	s10 =	sld [smem:$0x3FB9];
	_ =	sdelay $0x3  }
0x34: {  	[smem:$0x3FB9] =	sst s10  }
0x35: {  	s10 =	sld [smem:$0x3FB8];
	_ =	sdelay $0x3  }
0x36: {  	p1 =	seq.s32 s10, $0x1;
	s10 =	sld [smem:$0x3FB9];
	_ =	sdelay $0x3  }
0x37: {  	[smem:$0x3FB9] =	sst s10  }
0x38: {  	s10 =	sld [smem:$0x3FBA]  }
0x39: {  	_ = 	snop;
	(pc) =	sbr.ind lr, $3  }
0x3a: {  	_ = 	snop  }
0x3b: {  	_ = 	snop  }
0x3c: {  	p2 =	seq.s32 s10, $0x1;
	s10 =	sld [smem:$0x3FB9]  }
0x3d: {  	_ =	shalt  }
0x3e: {  	_ =	shalt  }
0x3f: {  	_ =	shalt  }
0x40: {  	_ =	shalt  }
0x41: {  	_ =	shalt  }
0x42: {  	_ =	shalt  }
0x43: {  	_ =	shalt  }
0x44: {  	_ =	shalt  }
0x45: {  	_ =	shalt  }
0x46: {  	_ =	shalt  }
0x47: {  	_ =	shalt  }
0x48: {  	_ =	shalt  }
0x49: {  	_ =	shalt  }
0x4a: {  	_ =	shalt  }
0x4b: {  	_ =	shalt  }
0x4c: {  	_ =	shalt  }
0x4d: {  	_ =	shalt  }
0x4e: {  	_ =	shalt  }
0x4f: {  	_ =	shalt  }
0x50: {  	_ =	shalt  }
0x51: {  	_ =	shalt  }
0x52: {  	_ =	shalt  }
0x53: {  	_ =	shalt  }
0x54: {  	_ =	shalt  }
0x55: {  	_ =	shalt  }
0x56: {  	_ =	shalt  }
0x57: {  	_ =	shalt  }
0x58: {  	_ =	shalt  }
0x59: {  	_ =	shalt  }
0x5a: {  	_ =	shalt  }
0x5b: {  	_ =	shalt  }
0x5c: {  	_ =	shalt  }
0x5d: {  	_ =	shalt  }
0x5e: {  	_ =	shalt  }
0x5f: {  	_ =	shalt  }
0x60: {  	_ =	shalt  }
0x61: {  	_ =	shalt  }
0x62: {  	_ =	shalt  }
0x63: {  	_ =	shalt  }
0x64: {  	_ =	shalt  }
0x65: {  	_ =	shalt  }
0x66: {  	_ =	shalt  }
0x67: {  	_ =	shalt  }
0x68: {  	_ =	shalt  }
0x69: {  	_ =	shalt  }
0x6a: {  	_ =	shalt  }
0x6b: {  	_ =	shalt  }
0x6c: {  	_ =	shalt  }
0x6d: {  	_ =	shalt  }
0x6e: {  	_ =	shalt  }
0x6f: {  	_ =	shalt  }
0x70: {  	_ =	shalt  }
0x71: {  	_ =	shalt  }
0x72: {  	_ =	shalt  }
0x73: {  	_ =	shalt  }
0x74: {  	_ =	shalt  }
0x75: {  	_ =	shalt  }
0x76: {  	_ =	shalt  }
0x77: {  	_ =	shalt  }
0x78: {  	_ =	shalt  }
0x79: {  	_ =	shalt  }
0x7a: {  	_ =	shalt  }
0x7b: {  	_ =	shalt  }
0x7c: {  	_ =	shalt  }
0x7d: {  	_ =	shalt  }
0x7e: {  	_ =	shalt  }
0x7f: {  	_ =	shalt  }
0x80: {  	_ =	shalt  }
0x81: {  	_ =	shalt  }
0x82: {  	_ =	shalt  }
0x83: {  	_ =	shalt  }
0x84: {  	_ =	shalt  }
0x85: {  	_ =	shalt  }
0x86: {  	_ =	shalt  }
0x87: {  	_ =	shalt  }
.Lfunc_end0:
.L_simem_size_0:
called_computation_lowered:
.L_overlay_start_0:
0x88: {  	s2 =	sld [smem:$0x3FD9]  }
0x89: {  	s3 =	sld [smem:$0x3FFE];
	_ =	sdelay $0x1  }
0x8a: {  	s1 =	srdreg.scid  }
0x8b: {  	s0 =	sand.u32 $0x1, s1  }
0x8c: {  	s14 =	sshll.u32 s0, $0xA;
	s2 =	sadd.s32 s3, s2  }
0x8d: {  	s2 =	sadd.s32 s2, s14  }
0x8e: {  	[smem:$0x3FC5] =	sst s2  }
0x8f: {  	_ = 	snop  }
0x90: {  	s2 =	sld [smem:$0x3FD0];
	_ =	sdelay $0x2  }
0x91: {  	s15 =	simm.s32 $0xA;
	s4 =	simm.s32 $0x10  }
0x92: {  	[smem:s4], [sflag:s15] =	dma.local [hbm:s2], $0x1  }
0x93: {  	_ =	swait.eq [sflag:s15], $0x1  }
0x94: {  	[sflag:s15] =	ssyncset.done $0x0  }
0x95: {  	[sflag:s15] =	ssyncadd.s32 $0xFFFFFFFF  }
0x96: {  	s16 =	sld [smem:$0x11];
	(tm) =	ssettm $0x1  }
0x97: {  	s17 =	sld [smem:$0x3FFB];
	_ =	sdelay $0x3  }
0x98: {  	_ =	strace s17  }
0x99: {  	s3 =	sld [smem:$0x3FFC];
	_ =	sdelay $0x3  }
0x9a: {  	_ =	strace s3  }
0x9b: {  	s3 =	sld [smem:$0x3FFD];
	_ =	sdelay $0x3  }
0x9c: {  	_ =	strace s3  }
0x9d: {  	_ =	strace $0x8FFFFFFF  }
0x9e: {  	s18 =	sld [smem:$0x3FDB];
	_ =	sdelay $0x1  }
0x9f: {  	s19 =	simm.s32 $_scs_section_size  }
0xa0: {  	s5 =	simm.s32 $_size__tile_overlayer_lowered;
	s6 =	simm.s32 $_tile_overlayer_lowered  }
0xa1: {  	s22 =	simm.s32 $0x1BFF;
	s21 =	sshll.u32 s6, $0x1;
	s3 =	sadd.s32 s19, s18  }
0xa2: {  	s7 =	simm.s32 $0x0;
	s20 =	sshll.u32 s5, $0x1;
	s5 =	sadd.s32 s21, s3  }
0xa3: {  	[timem:s7], [sflag:s22] =	dma.local [hbm:s5], s20  }
0xa4: {  	_ =	swait.ge [sflag:s22], s20  }
0xa5: {  	s4 =	ssub.s32 $0x0, s20;
	[sflag:s22] =	ssyncset.done $0x0  }
0xa6: {  	[sflag:s22] =	ssyncadd.s32 s4;
	_ =	sdelay $0x1  }
0xa7: {  	s23 =	simm.s32 $0x1B8B  }
0xa8: {  	_ =	swait.ge [sflag:s23], $0x1  }
0xa9: {  	[sflag:s23] =	ssyncset.done $0x0  }
0xaa: {  	s25 =	simm.s32 $0x1B8E;
	s24 =	sld [smem:$0x3FFE];
	[sflag:s23] =	ssyncadd.s32 $0xFFFFFFFF  }
0xab: {  	s26 =	simm.s32 $execute0_lowered;
	[smem:$0x3FD2] =	sst s25  }
0xac: {  	s5 =	sshll.u32 s26, $0x1;
	_ =	strace $0x80000046;
	[dreg:$0x1] =	wrdreg $0xFFFFFFFF  }
0xad: {  	s28 =	simm.s32 $_size_execute0_lowered;
	s3 =	sadd.s32 s3, s5;
	[dreg:$0x0] =	wrdreg $0x0  }
0xae: {  	s5 =	sshll.u32 s28, $0x1;
	[dreg:$0x2] =	wrdreg s3  }
0xaf: {  	[dreg:$0x3] =	wrdreg s5  }
0xb0: {  	[dreg:$0x4] =	wrdreg $0xC0  }
0xb1: {  	_ =	task [dreg:s7], $0x5FFFF  }
0xb2: {  	[dreg:$0x1] =	wrdreg $0xFFFFFFFF  }
0xb3: {  	[dreg:$0x0] =	wrdreg $0x60  }
0xb4: {  	[dreg:$0x2] =	wrdreg s24  }
0xb5: {  	[dreg:$0x3] =	wrdreg s16  }
0xb6: {  	[dreg:$0x4] =	wrdreg $0x9  }
0xb7: {  	_ =	task.clear_ibuf [dreg:s7], $0x5FFFF;
	_ =	strace $0x90000046  }
0xb8: {  	s29 =	simm.s32 $0x9;
	_ =	strace $0x80000048  }
0xb9: {  	_ =	swait.ge [sflag:s29], $0x1  }
0xba: {  	[sflag:s29] =	ssyncadd.s32 $0xFFFFFFFF  }
0xbb: {  	_ =	strace $0x90000048  }
0xbc: {  	_ =	sfence  }
0xbd: {  	s30 =	sld [smem:$0x0];
	_ =	sdelay $0x2  }
0xbe: {  	s31 =	sshll.u32 s1, $0xD;
	s1 =	sshrl.u32 s1, $0x2  }
0xbf: {  	s3 =	sand.u32 $0x4000, s31;
	s1 =	sadd.s32 s1, s30  }
0xc0: {  	s0 =	sor.u32 s3, s0;
	s1 =	sshll.u32 s1, $0x11  }
0xc1: {  	s0 =	sor.u32 s1, s0  }
0xc2: {  	s0 =	sadd.s32 $0x8F2B, s0  }
0xc3: {  	[sflag:s0] =	ssyncadd.remote.s32 $0x1  }
0xc4: {  	_ =	sfence.sel $0xFFFF  }
0xc5: {  	[dreg:$0x0] =	wrdreg $0xFFFFFFFF;
	(pc) =	sbr.abs _section_cstart, $3  }
0xc6: {  	[dreg:$0x1] =	wrdreg $0xFFFFFFFF  }
0xc7: {  	_ =	task.clear_ibuf [dreg:s7], $0x2FFFF;
	_ =	strace $0x9FFFFFFF  }
0xc8: {  	(tm) =	ssettm $0x7FFFFFFF  }
0xc9: {  	_ =	shalt  }
tec
execute0_lowered:
.L_overlay_start_1:
0x0: {  	(tag) =	ssettag $0x1  }
0x1: {  	s3 =	rddreg [dreg:$0x0]  }
0x2: {  	s4 =	rddreg [dreg:$0x1]  }
0x3: {  	s0 =	rddreg [dreg:$0x2];
	s5 =	srdreg.scid  }
0x4: {  	s1 =	stileid.u32;
	s2 =	simm.s32 $0x0;
	s10 =	simm.s32 $0x10000  }
0x5: {  	s11 =	simm.s32 $0x10800;
	s5 =	sand.u32 $0x1, s5;
	s6 =	sshll.u32 s1, $0x1  }
0x6: {  	s12 =	simm.s32 $0x0;
	[smem:$0x7FF] =	sst s2;
	s6 =	sor.u32 s5, s6  }
0x7: {  	_ =	strace $0x80000047;
	s5 =	ssub.s32 $0x2, s5;
	s7 =	sshll.u32 s6, $0xA  }
0x8: {  	s6 =	sshll.u32 s6, $0x8;
	s8 =	sshrl.u32 s5, $0x1;
	s7 =	sadd.s32 s7, s3  }
0x9: {  	s9 =	sadd.s32 s6, s3;
	s8 =	ssub.s32 s5, s8;
	s4 =	sadd.s32 s4, s6  }
0xa: {  	v0 =	vlaneseq.u32;
	s3 =	sadd.s32 $0x81200, s7;
	s5 =	sadd.s32 $0xC1200, s9;
	s6 =	smax.u32 s8, $0x1  }
0xb: {  	v0 =	vmul.u32 $0x2, v0;
	s7 =	simm.s32 $0x2000;
	s8 =	simm.s32 $0x40000;
	s9 =	simm.s32 $0x1  }
.LBB2_1:
0xc: {  	[tilespmem:s2], [sflag:$0x1] =	stream.strided.gather [hbm4b:s3+s7], $0x10000, s8, s7, $0x38;
	[tilespmem:$0x11000] =	vst v63  }
0xd: {  	_ =	swait.ge [sflag:s9], $0x10000  }
0xe: {  	[sflag:s9] =	ssyncset.done $0x0  }
0xf: {  	s13 =	simm.s32 $0x0;
	[sflag:s9] =	ssyncadd.s32 $0xFFFF0000  }
.LBB2_2:
0x10: {  	s14 =	sshll.u32 s13, $0x6  }
0x11: {  	s15 =	sshll.u32 s13, $0x9;
	s16 =	sand.u32 $0x40, s14  }
0x12: {  	s15 =	sand.u32 $0x1C00, s15;
	s24 =	sor.u32 $0x30, s16;
	v2 =	vmov s16  }
0x13: {  	[dreg:$0x3] =	wrdreg s15;
	s18 =	sor.u32 $0x20, s16;
	s15 =	simm.s32 $0x0;
	v1 =	vmov s24  }
0x14: {  	s17 =	rddreg [dreg:$0x3];
	v3 =	vmov s18;
	s25 =	sand.u32 $0xE000, s15  }
0x15: {  	s19 =	sand.u32 $0x200, s15;
	s17 =	sor.u32 s25, s17  }
0x16: {  	s16 =	sor.u32 $0x10, s16;
	s26 =	sadd.s32 s19, s17  }
0x17: {  	v4 =	vmov s16;
	v6 =	vld.idx.msk [tilespmem:v2+s26+$0x0 ss:$0x1], $0xffff  }
0x18: {  	s28 =	simm.s32 $0x80;
	v5 =	vld.idx.msk [tilespmem:v1+s26+$0x0 ss:$0x1], $0xffff  }
0x19: {  	s18 =	sand.u32 $0x280, s28;
	v7 =	vld.idx.msk [tilespmem:v3+s26+$0x0 ss:$0x1], $0xffff  }
0x1a: {  	s18 =	sadd.s32 s18, s17  }
0x1b: {  	v8 =	vimm.f32 $-Inf;
	v10 =	vld.idx.msk [tilespmem:v2+s18+$0x0 ss:$0x1], $0xffff  }
0x1c: {  	v9 =	vld.idx.msk [tilespmem:v4+s26+$0x0 ss:$0x1], $0xffff;
	vm1 =	vgt.f32 v6, v8  }
0x1d: {  	v11 =	vimm.s32 $0x40;
	s29 =	simm.s32 $0x0;
	v12 =	vld.idx.msk [tilespmem:v3+s18+$0x0 ss:$0x1], $0xffff;
	vm0 =	vgt.f32 v5, v8;
	v6 =	vsel vm1, v6, v8  }
0x1e: {  	v27 =	vld.idx.msk [tilespmem:v1+s18+$0x0 ss:$0x1], $0xffff;
	vm2 =	vgt.f32 v7, v8;
	v17 =	vsel vm1, s29, v11;
	v14 =	vsel vm0, v5, v8  }
0x1f: {  	v18 =	vsel vm2, v7, v8;
	v24 =	vsel vm0, s29, v11;
	v7 =	vsel vm1, v8, v6  }
0x20: {  	v20 =	vsel vm2, s29, v11;
	v16 =	vsel vm1, v11, v17;
	v15 =	vsel vm0, v8, v14  }
0x21: {  	s30 =	simm.s32 $0x100;
	v19 =	vsel vm0, v11, v24;
	vm0 =	vgt.f32 v9, v8;
	v21 =	vsel vm2, v8, v18  }
0x22: {  	s19 =	sand.u32 $0x300, s30;
	vm3 =	vgt.f32 v10, v7;
	v25 =	vsel vm2, v11, v20;
	vm1 =	vgt.f32 v12, v18  }
0x23: {  	s20 =	simm.s32 $0x1;
	s19 =	sadd.s32 s19, s17;
	vm9 =	vgt.f32 v27, v14;
	v7 =	vsel vm3, v10, v7;
	v22 =	vsel vm0, s29, v11  }
0x24: {  	v23 =	vld.idx.msk [tilespmem:v2+s19+$0x0 ss:$0x1], $0xffff;
	v13 =	vsel vm0, v9, v8;
	v9 =	vsel vm3, s20, v16;
	vm2 =	vgt.f32 v12, v21  }
0x25: {  	s31 =	simm.s32 $0x180;
	v5 =	vld.idx.msk [tilespmem:v4+s18+$0x0 ss:$0x1], $0xffff;
	vm3 =	vgt.f32 v10, v6;
	v30 =	vsel vm1, v12, v18;
	vm7 =	vgt.f32 v27, v15  }
0x26: {  	s16 =	sand.u32 $0x380, s31;
	v32 =	vsel vm9, v27, v14;
	v26 =	vsel vm0, v11, v22;
	v8 =	vsel vm0, v8, v13  }
0x27: {  	s16 =	sadd.s32 s16, s17;
	v10 =	vsel vm3, v10, v6;
	v9 =	vsel vm3, v17, v9;
	v6 =	vsel vm3, v6, v7  }
0x28: {  	v16 =	vld.idx.msk [tilespmem:v2+s16+$0x0 ss:$0x1], $0xffff;
	v28 =	vsel vm3, s20, v17;
	v21 =	vsel vm2, v12, v21;
	v31 =	vsel vm7, s20, v19  }
0x29: {  	v12 =	vsel vm1, s20, v20;
	vm3 =	vgt.f32 v23, v6;
	vm6 =	vgt.f32 v23, v10  }
0x2a: {  	v11 =	vld.idx.msk [tilespmem:v4+s19+$0x0 ss:$0x1], $0xffff;
	v18 =	vsel vm1, v18, v21;
	vm4 =	vgt.f32 v5, v13;
	vm0 =	vgt.f32 v5, v8  }
0x2b: {  	s17 =	simm.s32 $0x2;
	v6 =	vsel vm3, v23, v6;
	v23 =	vsel vm6, v23, v10;
	v7 =	vsel vm0, v5, v8  }
0x2c: {  	v8 =	vsel vm3, s17, v9;
	v6 =	vsel vm6, v10, v6;
	v9 =	vsel vm4, s20, v22  }
0x2d: {  	v17 =	vsel vm4, v13, v7;
	v7 =	vsel vm2, s20, v25;
	v25 =	vld.idx.msk [tilespmem:v3+s19+$0x0 ss:$0x1], $0xffff;
	vm2 =	vgt.f32 v16, v6  }
0x2e: {  	v29 =	vsel vm1, v20, v7;
	v7 =	vsel vm0, s20, v26;
	v26 =	vld.idx.msk [tilespmem:v1+s19+$0x0 ss:$0x1], $0xffff;
	vm0 =	vgt.f32 v16, v23  }
0x2f: {  	s18 =	simm.s32 $0x3;
	vm5 =	vgt.f32 v11, v17;
	v10 =	vsel vm4, v22, v7;
	v7 =	vsel vm6, v28, v8  }
0x30: {  	v8 =	vsel vm7, v27, v15;
	v15 =	vsel vm2, v16, v6;
	v7 =	vsel vm2, s18, v7  }
0x31: {  	v20 =	vsel vm9, v14, v8;
	v8 =	vsel vm9, s20, v24;
	v14 =	vsel vm6, s17, v28  }
0x32: {  	v22 =	vsel vm0, v23, v15;
	v15 =	vsel vm9, v24, v31;
	vm8 =	vgt.f32 v25, v18  }
0x33: {  	vm3 =	vgt.f32 v25, v30;
	v27 =	vsel vm8, v25, v18;
	vm1 =	vgt.f32 v26, v32  }
0x34: {  	v6 =	vld.idx.msk [tilespmem:v1+s16+$0x0 ss:$0x1], $0xffff;
	v19 =	vsel vm8, s17, v29;
	vm2 =	vgt.f32 v26, v20;
	v21 =	vsel vm3, v25, v30  }
0x35: {  	v25 =	vld.idx.msk [tilespmem:v3+s16+$0x0 ss:$0x1], $0xffff;
	v18 =	vsel vm1, v26, v32;
	v26 =	vsel vm2, v26, v20;
	v20 =	vsel vm5, s17, v10  }
0x36: {  	s19 =	simm.s32 $0x200;
	v10 =	vsel vm1, s17, v8;
	v27 =	vsel vm3, v30, v27;
	v24 =	vsel vm1, v32, v26;
	v26 =	vld.idx.msk [tilespmem:v4+s16+$0x0 ss:$0x1], $0xffff;
	s16 =	simm.s32 $0x3  }
.LBB2_3:
0x37: {  	v5 =	vsel vm4, v5, v13;
	v13 =	vsel vm0, v16, v23  }
0x38: {  	v16 =	vsel vm3, s17, v12;
	v12 =	vsel vm3, v12, v19;
	v17 =	vsel vm5, v11, v17  }
0x39: {  	v15 =	vsel vm2, s17, v15;
	v7 =	vsel vm0, v14, v7;
	vm3 =	vgt.f32 v11, v5  }
0x3a: {  	s15 =	sadd.s32 $0x1000, s15;
	v8 =	vsel vm1, v8, v15;
	v15 =	vsel vm0, s16, v14;
	vm1 =	vgt.f32 v6, v18  }
0x3b: {  	s20 =	rddreg [dreg:$0x3];
	s22 =	smov.u32 s19;
	s21 =	sand.u32 $0xE000, s15;
	v17 =	vsel vm3, v5, v17;
	v5 =	vsel vm3, v11, v5;
	vm6 =	vgt.f32 v25, v27  }
0x3c: {  	s25 =	sand.u32 $0x200, s22;
	s26 =	sor.u32 s21, s20;
	vm4 =	vgt.f32 v25, v21;
	vm5 =	vgt.f32 v26, v5;
	v23 =	vsel vm6, v25, v27  }
0x3d: {  	s25 =	sadd.s32 s25, s26;
	v19 =	vsel vm4, s16, v16;
	v25 =	vsel vm4, v25, v21;
	v12 =	vsel vm6, s16, v12  }
0x3e: {  	vm6 =	vgt.f32 v26, v17;
	v27 =	vld.idx.msk [tilespmem:v2+s25+$0x0 ss:$0x1], $0xffff;
	v11 =	vsel vm4, v16, v12;
	v16 =	vsel vm3, v9, v20  }
0x3f: {  	v12 =	vld.idx.msk [tilespmem:v1+s25+$0x0 ss:$0x1], $0xffff;
	v17 =	vsel vm6, v26, v17;
	v26 =	vsel vm5, v26, v5;
	v21 =	vsel vm4, v21, v23  }
0x40: {  	v20 =	vld.idx.msk [tilespmem:v3+s25+$0x0 ss:$0x1], $0xffff;
	v9 =	vsel vm3, s17, v9;
	v16 =	vsel vm6, s16, v16;
	vm6 =	vgt.f32 v6, v24  }
0x41: {  	v28 =	vld.idx.msk [tilespmem:v4+s25+$0x0 ss:$0x1], $0xffff;
	v17 =	vsel vm5, v5, v17;
	v24 =	vsel vm6, v6, v24;
	v8 =	vsel vm6, s16, v8  }
0x42: {  	v6 =	vsel vm1, v6, v18;
	v16 =	vsel vm5, v9, v16;
	v9 =	vsel vm5, s16, v9  }
0x43: {  	s18 =	sadd.s32 $0x4, s18;
	v8 =	vsel vm1, v10, v8;
	v23 =	vsel vm1, v18, v24;
	v10 =	vsel vm1, s16, v10  }
0x44: {  	s23 =	sadd.s32 $0x100, s22;
	s24 =	sadd.s32 $0x180, s22;
	s22 =	sadd.s32 $0x80, s22;
	vm2 =	vgt.f32 v27, v22;
	vm3 =	vgt.f32 v27, v13;
	vm1 =	vgt.f32 v12, v6  }
0x45: {  	s30 =	sadd.s32 $0xFFFFFFFD, s18;
	s22 =	sand.u32 $0x280, s22;
	vm0 =	vgt.f32 v12, v23;
	v22 =	vsel vm2, v27, v22;
	vm4 =	vgt.f32 v20, v21  }
0x46: {  	s29 =	sadd.s32 s22, s26;
	vm5 =	vgt.f32 v20, v25;
	v7 =	vsel vm2, s30, v7;
	vm2 =	vgt.f32 v28, v17  }
0x47: {  	s28 =	sand.u32 $0x380, s24;
	v14 =	vld.idx.msk [tilespmem:v2+s29+$0x0 ss:$0x1], $0xffff;
	v18 =	vsel vm0, v12, v23;
	v31 =	vsel vm1, v12, v6;
	v12 =	vsel vm4, v20, v21  }
0x48: {  	s20 =	sadd.s32 s28, s26;
	v8 =	vsel vm0, s30, v8;
	v21 =	vsel vm3, v13, v22;
	v22 =	vsel vm3, v27, v13  }
0x49: {  	v29 =	vld.idx.msk [tilespmem:v1+s20+$0x0 ss:$0x1], $0xffff;
	v23 =	vsel vm3, s30, v15;
	v11 =	vsel vm4, s30, v11;
	v27 =	vsel vm5, s30, v19  }
0x4a: {  	v24 =	vld.idx.msk [tilespmem:v3+s29+$0x0 ss:$0x1], $0xffff;
	vm0 =	vgt.f32 v28, v26;
	v7 =	vsel vm3, v15, v7;
	v15 =	vsel vm2, s30, v16  }
0x4b: {  	v5 =	vld.idx.msk [tilespmem:v4+s29+$0x0 ss:$0x1], $0xffff;
	v16 =	vsel vm2, v28, v17;
	v20 =	vsel vm5, v20, v25;
	v18 =	vsel vm1, v6, v18  }
0x4c: {  	v8 =	vsel vm1, v10, v8;
	v12 =	vsel vm5, v25, v12;
	vm4 =	vgt.f32 v14, v21  }
0x4d: {  	s23 =	sand.u32 $0x300, s23;
	v19 =	vsel vm5, v19, v11;
	v13 =	vsel vm0, v28, v26;
	vm5 =	vgt.f32 v14, v22  }
0x4e: {  	s31 =	sadd.s32 $0xFFFFFFFE, s18;
	s21 =	sadd.s32 s23, s26;
	v25 =	vsel vm0, s30, v9;
	v9 =	vsel vm0, v9, v15;
	v15 =	vsel vm0, v26, v16  }
0x4f: {  	v6 =	vmovc v29;
	v29 =	vld.idx.msk [tilespmem:v2+s21+$0x0 ss:$0x1], $0xffff;
	v21 =	vsel vm4, v14, v21;
	v7 =	vsel vm4, s31, v7;
	vm3 =	vgt.f32 v24, v12  }
0x50: {  	vm4 =	vgt.f32 v5, v13;
	vm2 =	vgt.f32 v24, v20;
	v14 =	vsel vm5, v14, v22  }
0x51: {  	v26 =	vld.idx.msk [tilespmem:v3+s21+$0x0 ss:$0x1], $0xffff;
	vm0 =	vgt.f32 v5, v15;
	v7 =	vsel vm5, v23, v7;
	v17 =	vsel vm5, v22, v21  }
0x52: {  	v21 =	vld.idx.msk [tilespmem:v1+s29+$0x0 ss:$0x1], $0xffff;
	v22 =	vsel vm5, s31, v23;
	v12 =	vsel vm3, v24, v12;
	v9 =	vsel vm0, s31, v9  }
0x53: {  	v15 =	vsel vm0, v5, v15;
	v24 =	vsel vm2, v24, v20;
	v28 =	vsel vm4, v25, v9  }
0x54: {  	v11 =	vld.idx.msk [tilespmem:v4+s21+$0x0 ss:$0x1], $0xffff;
	v9 =	vsel vm4, s31, v25;
	vm5 =	vgt.f32 v29, v17;
	vm6 =	vgt.f32 v29, v14  }
0x55: {  	s17 =	sadd.s32 $0xFFFFFFFF, s18;
	v16 =	vld.idx.msk [tilespmem:v2+s20+$0x0 ss:$0x1], $0xffff;
	v23 =	vsel vm5, v29, v17;
	v17 =	vsel vm4, v13, v15;
	v15 =	vsel vm3, s31, v19  }
0x56: {  	v7 =	vsel vm5, s17, v7;
	vm3 =	vgt.f32 v26, v24;
	v15 =	vsel vm2, v27, v15  }
0x57: {  	v19 =	vsel vm6, v14, v23;
	v23 =	vsel vm6, v29, v14;
	vm8 =	vgt.f32 v21, v18  }
0x58: {  	v7 =	vsel vm6, v22, v7;
	v14 =	vsel vm2, v20, v12;
	v12 =	vsel vm2, s31, v27  }
0x59: {  	vm5 =	vgt.f32 v11, v17;
	v27 =	vsel vm1, s30, v10;
	vm9 =	vgt.f32 v21, v31  }
0x5a: {  	v30 =	vld.idx.msk [tilespmem:v1+s21+$0x0 ss:$0x1], $0xffff;
	vm7 =	vgt.f32 v16, v19;
	v29 =	vsel vm8, s31, v8;
	vm0 =	vgt.f32 v16, v23  }
0x5b: {  	vm2 =	vgt.f32 v26, v14;
	v8 =	vsel vm8, v21, v18;
	v20 =	vsel vm5, s17, v28  }
0x5c: {  	p0 =	sne.s32 s19, $0x1E00;
	v7 =	vsel vm7, s18, v7;
	v32 =	vsel vm7, v16, v19;
	v10 =	vsel vm9, v31, v8  }
.Ltmp0:
0x5d: {  	v31 =	vsel vm9, v21, v31;
	v8 =	vsel vm9, s31, v27;
	v33 =	vsel vm2, v26, v14;
	(pc) =	sbr.rel @p0 .LBB2_3-.Ltmp0, $4  }
0x5e: {  	v19 =	vsel vm2, s17, v15;
	v14 =	vsel vm6, s17, v22;
	v21 =	vsel vm3, v26, v24  }
0x5f: {  	v15 =	vsel vm9, v27, v29;
	vm1 =	vgt.f32 v30, v31;
	vm2 =	vgt.f32 v30, v10  }
0x60: {  	v25 =	vld.idx.msk [tilespmem:v3+s20+$0x0 ss:$0x1], $0xffff;
	v22 =	vsel vm0, v23, v32;
	v27 =	vsel vm3, v24, v33;
	v26 =	vsel vm2, v30, v10  }
0x61: {  	s19 =	sadd.s32 $0x200, s19;
	s16 =	smov.u32 s18;
	v18 =	vsel vm1, v30, v31;
	v10 =	vsel vm1, s17, v8;
	v24 =	vsel vm1, v31, v26;
	v26 =	vld.idx.msk [tilespmem:v4+s20+$0x0 ss:$0x1], $0xffff  }
0x62: {  	v1 =	vsel vm0, v16, v23  }
0x63: {  	v1 =	vsub.f32 v22, v1;
	_ =	sdelay $0x1  }
0x64: {  	v1 =	vmul.f32 $1.442695020e+00, v1;
	_ =	sdelay $0x1  }
0x65: {  	(erf) = vpow2.f32 v1;
	_ =	sdelay $0x1  }
0x66: {  	v1 =	vsel vm4, v5, v13  }
0x67: {  	v2 =	vsel vm5, v11, v17;
	vm9 =	vgt.f32 v11, v1  }
0x68: {  	v2 =	vsel vm9, v1, v2  }
0x69: {  	vm10 =	vgt.f32 v26, v2  }
0x6a: {  	v1 =	vsel vm9, v11, v1;
	v2 =	vsel vm10, v26, v2  }
0x6b: {  	vm7 =	vgt.f32 v26, v1  }
0x6c: {  	v3 =	vsel vm7, v26, v1;
	v1 =	vsel vm7, v1, v2  }
0x6d: {  	v1 =	vsub.f32 v1, v3;
	v2 =	vpop (erf)  }
0x6e: {  	v2 =	vadd.f32 $1.000000000e+00, v2  }
0x6f: {  	v1 =	vmul.f32 $1.442695020e+00, v1  }
0x70: {  	(erf) = vrcp.f32 v2  }
0x71: {  	(erf) = vpow2.f32 v1;
	_ =	sdelay $0x5  }
0x72: {  	vm14 =	vgt.f32 v25, v27  }
0x73: {  	vm15 =	vgt.f32 v25, v21;
	v1 =	vsel vm14, v25, v27  }
0x74: {  	v2 =	vsel vm15, v25, v21;
	v1 =	vsel vm15, v21, v1;
	v3 =	vpop (erf)  }
0x75: {  	v1 =	vsub.f32 v1, v2;
	v4 =	vpop (erf)  }
0x76: {  	v2 =	vadd.f32 $1.000000000e+00, v4  }
0x77: {  	v1 =	vmul.f32 $1.442695020e+00, v1  }
0x78: {  	(erf) = vrcp.f32 v2  }
0x79: {  	(erf) = vpow2.f32 v1;
	_ =	sdelay $0x5  }
0x7a: {  	vm8 =	vgt.f32 v6, v24  }
0x7b: {  	vm6 =	vgt.f32 v6, v18;
	v1 =	vsel vm8, v6, v24  }
0x7c: {  	v2 =	vsel vm6, v6, v18;
	v1 =	vsel vm6, v18, v1;
	v45 =	vpop (erf)  }
0x7d: {  	v1 =	vsub.f32 v1, v2;
	v46 =	vpop (erf)  }
0x7e: {  	v2 =	vadd.f32 $1.000000000e+00, v46  }
0x7f: {  	v1 =	vmul.f32 $1.442695020e+00, v1  }
0x80: {  	(erf) = vrcp.f32 v2  }
0x81: {  	(erf) = vpow2.f32 v1;
	_ =	sdelay $0x3  }
0x82: {  	v1 =	vmov s14  }
0x83: {  	v1 =	vshll.u32 v1, $0x1  }
0x84: {  	v1 =	vor.u32 v0, v1  }
0x85: {  	s15 =	sor.u32 $0x10, s14;
	v2 =	vor.u32 $0x1, v1  }
0x86: {  	v48 =	vmov s15;
	v47 =	vpop (erf)  }
0x87: {  	v6 =	vshll.u32 v48, $0x1;
	v49 =	vpop (erf)  }
0x88: {  	v50 =	vsub.f32 $1.000000000e+00, v3;
	v6 =	vor.u32 v0, v6;
	v11 =	vadd.f32 $1.000000000e+00, v49  }
0x89: {  	s30 =	sor.u32 $0x20, s14;
	[tilespmem:v1+s10+$0x0] =	vst.idx.msk $0xffff, v3;
	v3 =	vor.u32 $0x1, v6  }
0x8a: {  	v52 =	vsel vm0, s16, v14;
	v51 =	vmov s30;
	[tilespmem:v2+s10+$0x0] =	vst.idx.msk $0xffff, v50;
	(erf) = vrcp.f32 v11  }
0x8b: {  	v7 =	vsel vm0, v14, v7;
	[tilespmem:v1+s11+$0x0] =	vst.idx.msk $0xffff, v52;
	v1 =	vshll.u32 v51, $0x1  }
0x8c: {  	[tilespmem:v2+s11+$0x0] =	vst.idx.msk $0xffff, v7;
	v2 =	vsub.f32 $1.000000000e+00, v45;
	v1 =	vor.u32 v0, v1  }
0x8d: {  	s31 =	sor.u32 $0x30, s14;
	v53 =	vsel vm9, v9, v20;
	v54 =	vsel vm9, s17, v9;
	[tilespmem:v6+s10+$0x0] =	vst.idx.msk $0xffff, v45;
	v55 =	vor.u32 $0x1, v1  }
0x8e: {  	v56 =	vsel vm7, s16, v54;
	v7 =	vsel vm10, s16, v53;
	[tilespmem:v3+s10+$0x0] =	vst.idx.msk $0xffff, v2;
	v2 =	vmov s31  }
0x8f: {  	v7 =	vsel vm7, v54, v7;
	[tilespmem:v6+s11+$0x0] =	vst.idx.msk $0xffff, v56;
	v2 =	vshll.u32 v2, $0x1  }
0x90: {  	[tilespmem:v3+s11+$0x0] =	vst.idx.msk $0xffff, v7;
	v3 =	vsub.f32 $1.000000000e+00, v47;
	v2 =	vor.u32 v0, v2  }
0x91: {  	v57 =	vsel vm3, s17, v12;
	v58 =	vsel vm3, v12, v19;
	[tilespmem:v1+s10+$0x0] =	vst.idx.msk $0xffff, v47;
	v59 =	vor.u32 $0x1, v2  }
0x92: {  	s13 =	sadd.s32 $0x1, s13;
	v60 =	vsel vm15, s16, v57;
	v7 =	vsel vm14, s16, v58;
	[tilespmem:v55+s10+$0x0] =	vst.idx.msk $0xffff, v3  }
0x93: {  	p0 =	sne.s32 s13, $0x10;
	v3 =	vsel vm15, v57, v7;
	[tilespmem:v1+s11+$0x0] =	vst.idx.msk $0xffff, v60;
	v1 =	vpop (erf)  }
.Ltmp1:
0x94: {  	v61 =	vsel vm2, s17, v15;
	[tilespmem:v55+s11+$0x0] =	vst.idx.msk $0xffff, v3;
	v3 =	vsub.f32 $1.000000000e+00, v1;
	(pc) =	sbr.rel @p0 .LBB2_2-.Ltmp1, $4  }
0x95: {  	v62 =	vsel vm1, v8, v61;
	[tilespmem:v2+s10+$0x0] =	vst.idx.msk $0xffff, v1  }
0x96: {  	v63 =	vsel vm6, s16, v10;
	v1 =	vsel vm8, s16, v62;
	[tilespmem:v59+s10+$0x0] =	vst.idx.msk $0xffff, v3  }
0x97: {  	v1 =	vsel vm6, v10, v1;
	[tilespmem:v2+s11+$0x0] =	vst.idx.msk $0xffff, v63  }
0x98: {  	[tilespmem:v59+s11+$0x0] =	vst.idx.msk $0xffff, v1  }
0x99: {  	[hbm4b:s4+s2] =	stream.linear.scatter [tilespmem:s10], [sflag:$0x1], $0x800, $0x38;
	[tilespmem:$0x11000] =	vst v63  }
0x9a: {  	s12 =	sadd.s32 $0x1, s12;
	_ =	swait.ge [sflag:s9], $0x800  }
0x9b: {  	p0 =	sne.s32 s12, s6;
	[sflag:s9] =	ssyncset.done $0x0  }
.Ltmp2:
0x9c: {  	[sflag:s9] =	ssyncadd.s32 $0xFFFFF800;
	(pc) =	sbr.rel @p0 .LBB2_1-.Ltmp2, $4  }
0x9d: {  	[hbm4b:s5+s2] =	stream.linear.scatter [tilespmem:s11], [sflag:$0x1], $0x800, $0x38;
	[tilespmem:$0x11000] =	vst v63  }
0x9e: {  	_ =	swait.ge [sflag:s9], $0x800  }
0x9f: {  	[sflag:s9] =	ssyncset.done $0x0  }
0xa0: {  	[sflag:s9] =	ssyncadd.s32 $0xFFFFF800  }
0xa1: {  	_ =	sfence.sel $0x180000  }
0xa2: {  	[bflag:$0x0] =	sbarrier.arrive $0xFFFF  }
0xa3: {  	p0 =	sne.s32 s1, $0x0;
	_ =	strace $0x90000047  }
0xa4: {  	s0 =	sadd.s32 @!p0 $0x100000, s0;
	[bflag:$0x2] =	sbarrier.arrive $0xFFFF  }
0xa5: {  	[sflag:s0] =	ssyncadd.tile.s32 @!p0 $0x1;
	_ =	shalt  }
.Lfunc_end2:
_tile_overlayer_lowered:
.L_overlay_start_2:
0xa6: {  	(tag) =	ssettag $0x2  }
0xa7: {  	s0 =	rddreg [dreg:$0x0];
	s2 =	stileid.u32  }
0xa8: {  	s1 =	rddreg [dreg:$0x1];
	p0 =	sne.s32 s2, $0x0  }
0xa9: {  	s3 =	rddreg [dreg:$0x2];
	[bflag:$0x3] =	sbarrier.arrive $0xFFFF;
	s2 =	simm.s32 @!p0 $0x1C01  }
0xaa: {  	[timem:s3], [sflag:s2] =	dma.local @!p0 [hbm:s0], s1  }
0xab: {  	s0 =	simm.s32 @!p0 $0x1  }
0xac: {  	_ =	swait.ge @!p0 [sflag:s0], s1  }
0xad: {  	s1 =	ssub.s32 @!p0 $0x0, s1;
	[sflag:s0] =	ssyncset.done @!p0 $0x0  }
0xae: {  	[sflag:s0] =	ssyncadd.s32 @!p0 s1  }
0xaf: {  	[bflag:$0x3] =	sbarrier.arrive $0xFFFF  }
0xb0: {  	_ =	shalt  }

</sc_bundles>
